<compile_context>
chip_gen: v7x
topology: tpu7x:2x2x1
jax: 0.10.2.dev20260603
libtpu: 0.0.44.dev20260713+nightly
codegen_flags: <defaults>
</compile_context>

<pallas_src>
import functools

import jax
import jax.numpy as jnp
from jax import lax
from jax.experimental import pallas as pl
from jax.experimental.pallas import tpu as pltpu
from jax.experimental.pallas import tpu_sc as plsc

EMB_DIM = 32

_info = plsc.get_sparse_core_info()
_NC, _NS = _info.num_cores, _info.num_subcores
_NW = _NC * _NS

_CHUNK = 256
_K = 13


@functools.cache
def _make_gather(B: int):
    b_per_w = B // _NW
    nchunk = b_per_w // _CHUNK
    ngroup = nchunk // _K
    assert B % _NW == 0 and b_per_w % _CHUNK == 0 and nchunk % _K == 0

    mesh = plsc.VectorSubcoreMesh(core_axis_name="c", subcore_axis_name="s")

    @functools.partial(
        pl.kernel,
        mesh=mesh,
        out_type=jax.ShapeDtypeStruct((B, EMB_DIM), jnp.float32),
        scratch_types=[
            pltpu.VMEM((nchunk, _CHUNK), jnp.int32),
            pltpu.VMEM((_K, _CHUNK, EMB_DIM), jnp.float32),
            pltpu.SemaphoreType.DMA((_K,)),
        ],
        compiler_params=pltpu.CompilerParams(use_tc_tiling_on_sc=False),
    )
    def gather_kernel(keys_hbm, table_hbm, out_hbm, idx_v, rows_v, gsem):
        wid = lax.axis_index("s") * _NC + lax.axis_index("c")
        base = wid * b_per_w
        pltpu.sync_copy(keys_hbm.at[wid], idx_v)

        def group(g, carry):
            copies = []
            for b in range(_K):
                c = g * _K + b
                copies.append(
                    pltpu.async_copy(
                        table_hbm.at[idx_v.at[c]], rows_v.at[b], gsem.at[b]
                    )
                )
            for b in range(_K):
                c = g * _K + b
                copies[b].wait()
                pltpu.sync_copy(
                    rows_v.at[b],
                    out_hbm.at[pl.ds(base + c * _CHUNK, _CHUNK)],
                )
            return carry

        lax.fori_loop(0, ngroup, group, 0)

    return gather_kernel


def kernel(keys, table):
    batch, fields = keys.shape
    B = batch * fields
    b_per_w = B // _NW
    nchunk = b_per_w // _CHUNK
    karr = keys.reshape(-1).astype(jnp.int32).reshape(_NW, nchunk, _CHUNK)
    out = _make_gather(B)(karr, table)
    return out.reshape(batch, fields, EMB_DIM)

# --- scband reference (transcript-rebuilt; emitter-appended) ---
"""Pipeline reference for scband-lookup-layer-55499567399070 (READ-ONLY COPY).

The authoritative reference and input builder live on the scoring server;
editing this copy changes nothing except your own understanding.
"""

import jax, jax.numpy as jnp
import numpy as np

VOCAB = 1000000
EMB_DIM = 32
BATCH = 16384
FIELDS = 26

def setup_inputs(seed: int = 0) -> dict:
    key = jax.random.key(seed)
    k1, k2 = jax.random.split(key)
    keys = jax.random.randint(k1, (BATCH, FIELDS), 0, VOCAB, dtype=jnp.int64)
    table = jax.random.normal(k2, (VOCAB, EMB_DIM), dtype=jnp.float32) * 0.01
    return {"keys": keys, "table": table}

def reference(keys, table):
    # HPS embedding lookup: gather rows of the embedding table for each key.
    vectors = jnp.take(table, keys, axis=0)  # [BATCH, FIELDS, EMB_DIM]
    return vectors

if __name__ == "__main__":
    import jax
    _d = setup_inputs()
    print(jax.jit(kernel)(*tuple(_d.values())))

</pallas_src>

<mosaic_0001>
#map = affine_map<(d0, d1) -> (0, 0, 0)>
#map1 = affine_map<(d0, d1) -> (0, 0)>
module attributes {stable_mosaic.version = 14 : i64} {
  func.func @gather_kernel(%arg0: i32, %arg1: i32, %arg2: memref<32x52x256xi32, #tpu.memory_space<hbm>>, %arg3: memref<1000000x32xf32, #tpu.memory_space<hbm>>, %arg4: memref<425984x32xf32, #tpu.memory_space<hbm>>, %arg5: memref<52x256xi32, #tpu.memory_space<vmem>>, %arg6: memref<13x256x32xf32, #tpu.memory_space<vmem>>, %arg7: memref<13x!tpu.dma_semaphore, #tpu.memory_space<semaphore_mem>>) attributes {dimension_semantics = [#tpu.dimension_semantics<core_parallel>, #tpu.dimension_semantics<subcore_parallel>], iteration_bounds = array<i64: 2, 16>, scalar_prefetch = 0 : i64, scratch_operands = 3 : i64, tpu.core_type = #tpu.core_type<sc_vector_subcore>, window_params = [{transform_indices = #map}, {transform_indices = #map1}, {transform_indices = #map1}]} {
    %mul3A = arith.constant 2 : i32
    %mul3A_0 = arith.muli %arg1, %mul3A : i32
    %add3A = arith.addi %mul3A_0, %arg0 : i32
    %mul3A_1 = arith.constant 13312 : i32
    %mul3A_2 = arith.muli %add3A, %mul3A_1 : i32
    "tpu.region"() ({
      %run_scoped3A = tpu.sem_alloc : memref<!tpu.dma_semaphore, #tpu.memory_space<semaphore_mem>>
      %dma_start3A = arith.constant 0 : i32
      %dma_start3A_8 = arith.constant 0 : i32
      %dma_start3A_9 = tpu.memref_slice %arg2[%add3A, %dma_start3A, %dma_start3A_8] : memref<32x52x256xi32, #tpu.memory_space<hbm>> -> memref<1x52x256xi32, #tpu.memory_space<hbm>>
      %dma_start3A_10 = tpu.memref_squeeze %dma_start3A_9 : memref<1x52x256xi32, #tpu.memory_space<hbm>> -> memref<52x256xi32, #tpu.memory_space<hbm>>
      %dma_start3A_11 = arith.constant 0 : i32
      %dma_start3A_12 = arith.constant 0 : i32
      %dma_start3A_13 = tpu.memref_slice %arg2[%add3A, %dma_start3A_11, %dma_start3A_12] : memref<32x52x256xi32, #tpu.memory_space<hbm>> -> memref<1x52x256xi32, #tpu.memory_space<hbm>>
      %dma_start3A_14 = tpu.memref_squeeze %dma_start3A_13 : memref<1x52x256xi32, #tpu.memory_space<hbm>> -> memref<52x256xi32, #tpu.memory_space<hbm>>
      tpu.enqueue_dma source(%dma_start3A_14 : memref<52x256xi32, #tpu.memory_space<hbm>>) target(%arg5 : memref<52x256xi32, #tpu.memory_space<vmem>>) target_semaphore(%run_scoped3A : memref<!tpu.dma_semaphore, #tpu.memory_space<semaphore_mem>>)
      %dma_wait3A = arith.constant 0 : i32
      %dma_wait3A_15 = arith.constant 0 : i32
      %dma_wait3A_16 = tpu.memref_slice %arg2[%add3A, %dma_wait3A, %dma_wait3A_15] : memref<32x52x256xi32, #tpu.memory_space<hbm>> -> memref<1x52x256xi32, #tpu.memory_space<hbm>>
      %dma_wait3A_17 = tpu.memref_squeeze %dma_wait3A_16 : memref<1x52x256xi32, #tpu.memory_space<hbm>> -> memref<52x256xi32, #tpu.memory_space<hbm>>
      %dma_wait3A_18 = arith.constant 0 : i32
      %dma_wait3A_19 = arith.constant 0 : i32
      %dma_wait3A_20 = tpu.memref_slice %arg2[%add3A, %dma_wait3A_18, %dma_wait3A_19] : memref<32x52x256xi32, #tpu.memory_space<hbm>> -> memref<1x52x256xi32, #tpu.memory_space<hbm>>
      %dma_wait3A_21 = tpu.memref_squeeze %dma_wait3A_20 : memref<1x52x256xi32, #tpu.memory_space<hbm>> -> memref<52x256xi32, #tpu.memory_space<hbm>>
      tpu.wait_dma2 semaphore(%run_scoped3A : memref<!tpu.dma_semaphore, #tpu.memory_space<semaphore_mem>>) src(%dma_wait3A_21 : memref<52x256xi32, #tpu.memory_space<hbm>>) dst(%arg5 : memref<52x256xi32, #tpu.memory_space<vmem>>)
      tpu.yield
    }) : () -> ()
    %scan3A = arith.constant 0 : i32
    %scan3A_3 = arith.constant 0 : i32
    %scan3A_4 = arith.constant 4 : i32
    %scan3A_5 = arith.addi %scan3A_3, %scan3A_4 : i32
    %scan3A_6 = arith.constant 1 : i32
    scf.for %scan3A_8 = %scan3A_3 to %scan3A_5 step %scan3A_6  : i32 {
      %mul3A_9 = arith.constant 13 : i32
      %mul3A_10 = arith.muli %scan3A_8, %mul3A_9 : i32
      %add3A_11 = arith.constant 0 : i32
      %add3A_12 = arith.addi %mul3A_10, %add3A_11 : i32
      %dma_start3A = arith.constant 0 : i32
      %dma_start3A_13 = arith.constant 0 : i32
      %dma_start3A_14 = arith.constant 0 : i32
      %dma_start3A_15 = arith.constant 0 : i32
      %dma_start3A_16 = tpu.memref_slice %arg6[%dma_start3A, %dma_start3A_14, %dma_start3A_15] : memref<13x256x32xf32, #tpu.memory_space<vmem>> -> memref<1x256x32xf32, #tpu.memory_space<vmem>>
      %dma_start3A_17 = tpu.memref_squeeze %dma_start3A_16 : memref<1x256x32xf32, #tpu.memory_space<vmem>> -> memref<256x32xf32, #tpu.memory_space<vmem>>
      %dma_start3A_18 = arith.constant 0 : i32
      %dma_start3A_19 = tpu.memref_slice %arg5[%add3A_12, %dma_start3A_18] : memref<52x256xi32, #tpu.memory_space<vmem>> -> memref<1x256xi32, #tpu.memory_space<vmem>>
      %dma_start3A_20 = tpu.memref_squeeze %dma_start3A_19 : memref<1x256xi32, #tpu.memory_space<vmem>> -> memref<256xi32, #tpu.memory_space<vmem>>
      %dma_start3A_21 = arith.constant 0 : i32
      %dma_start3A_22 = arith.constant 0 : i32
      %dma_start3A_23 = tpu.memref_slice %arg3[%dma_start3A_21, %dma_start3A_22] : memref<1000000x32xf32, #tpu.memory_space<hbm>> -> memref<1000000x32xf32, #tpu.memory_space<hbm>>
      %dma_start3A_24 = tpu.memref_slice %arg7[%dma_start3A_13] : memref<13x!tpu.dma_semaphore, #tpu.memory_space<semaphore_mem>> -> memref<1x!tpu.dma_semaphore, #tpu.memory_space<semaphore_mem>>
      %dma_start3A_25 = tpu.memref_squeeze %dma_start3A_24 : memref<1x!tpu.dma_semaphore, #tpu.memory_space<semaphore_mem>> -> memref<!tpu.dma_semaphore, #tpu.memory_space<semaphore_mem>>
      tpu.enqueue_indirect_dma source(%dma_start3A_23 : memref<1000000x32xf32, #tpu.memory_space<hbm>>) target(%dma_start3A_17 : memref<256x32xf32, #tpu.memory_space<vmem>>) offsets(%dma_start3A_20 : memref<256xi32, #tpu.memory_space<vmem>>) semaphore(%dma_start3A_25 : memref<!tpu.dma_semaphore, #tpu.memory_space<semaphore_mem>>)
      %mul3A_26 = arith.constant 13 : i32
      %mul3A_27 = arith.muli %scan3A_8, %mul3A_26 : i32
      %add3A_28 = arith.constant 1 : i32
      %add3A_29 = arith.addi %mul3A_27, %add3A_28 : i32
      %dma_start3A_30 = arith.constant 1 : i32
      %dma_start3A_31 = arith.constant 1 : i32
      %dma_start3A_32 = arith.constant 0 : i32
      %dma_start3A_33 = arith.constant 0 : i32
      %dma_start3A_34 = tpu.memref_slice %arg6[%dma_start3A_30, %dma_start3A_32, %dma_start3A_33] : memref<13x256x32xf32, #tpu.memory_space<vmem>> -> memref<1x256x32xf32, #tpu.memory_space<vmem>>
      %dma_start3A_35 = tpu.memref_squeeze %dma_start3A_34 : memref<1x256x32xf32, #tpu.memory_space<vmem>> -> memref<256x32xf32, #tpu.memory_space<vmem>>
      %dma_start3A_36 = arith.constant 0 : i32
      %dma_start3A_37 = tpu.memref_slice %arg5[%add3A_29, %dma_start3A_36] : memref<52x256xi32, #tpu.memory_space<vmem>> -> memref<1x256xi32, #tpu.memory_space<vmem>>
      %dma_start3A_38 = tpu.memref_squeeze %dma_start3A_37 : memref<1x256xi32, #tpu.memory_space<vmem>> -> memref<256xi32, #tpu.memory_space<vmem>>
      %dma_start3A_39 = arith.constant 0 : i32
      %dma_start3A_40 = arith.constant 0 : i32
      %dma_start3A_41 = tpu.memref_slice %arg3[%dma_start3A_39, %dma_start3A_40] : memref<1000000x32xf32, #tpu.memory_space<hbm>> -> memref<1000000x32xf32, #tpu.memory_space<hbm>>
      %dma_start3A_42 = tpu.memref_slice %arg7[%dma_start3A_31] : memref<13x!tpu.dma_semaphore, #tpu.memory_space<semaphore_mem>> -> memref<1x!tpu.dma_semaphore, #tpu.memory_space<semaphore_mem>>
      %dma_start3A_43 = tpu.memref_squeeze %dma_start3A_42 : memref<1x!tpu.dma_semaphore, #tpu.memory_space<semaphore_mem>> -> memref<!tpu.dma_semaphore, #tpu.memory_space<semaphore_mem>>
      tpu.enqueue_indirect_dma source(%dma_start3A_41 : memref<1000000x32xf32, #tpu.memory_space<hbm>>) target(%dma_start3A_35 : memref<256x32xf32, #tpu.memory_space<vmem>>) offsets(%dma_start3A_38 : memref<256xi32, #tpu.memory_space<vmem>>) semaphore(%dma_start3A_43 : memref<!tpu.dma_semaphore, #tpu.memory_space<semaphore_mem>>)
      %mul3A_44 = arith.constant 13 : i32
      %mul3A_45 = arith.muli %scan3A_8, %mul3A_44 : i32
      %add3A_46 = arith.constant 2 : i32
      %add3A_47 = arith.addi %mul3A_45, %add3A_46 : i32
      %dma_start3A_48 = arith.constant 2 : i32
      %dma_start3A_49 = arith.constant 2 : i32
      %dma_start3A_50 = arith.constant 0 : i32
      %dma_start3A_51 = arith.constant 0 : i32
      %dma_start3A_52 = tpu.memref_slice %arg6[%dma_start3A_48, %dma_start3A_50, %dma_start3A_51] : memref<13x256x32xf32, #tpu.memory_space<vmem>> -> memref<1x256x32xf32, #tpu.memory_space<vmem>>
      %dma_start3A_53 = tpu.memref_squeeze %dma_start3A_52 : memref<1x256x32xf32, #tpu.memory_space<vmem>> -> memref<256x32xf32, #tpu.memory_space<vmem>>
      %dma_start3A_54 = arith.constant 0 : i32
      %dma_start3A_55 = tpu.memref_slice %arg5[%add3A_47, %dma_start3A_54] : memref<52x256xi32, #tpu.memory_space<vmem>> -> memref<1x256xi32, #tpu.memory_space<vmem>>
      %dma_start3A_56 = tpu.memref_squeeze %dma_start3A_55 : memref<1x256xi32, #tpu.memory_space<vmem>> -> memref<256xi32, #tpu.memory_space<vmem>>
      %dma_start3A_57 = arith.constant 0 : i32
      %dma_start3A_58 = arith.constant 0 : i32
      %dma_start3A_59 = tpu.memref_slice %arg3[%dma_start3A_57, %dma_start3A_58] : memref<1000000x32xf32, #tpu.memory_space<hbm>> -> memref<1000000x32xf32, #tpu.memory_space<hbm>>
      %dma_start3A_60 = tpu.memref_slice %arg7[%dma_start3A_49] : memref<13x!tpu.dma_semaphore, #tpu.memory_space<semaphore_mem>> -> memref<1x!tpu.dma_semaphore, #tpu.memory_space<semaphore_mem>>
      %dma_start3A_61 = tpu.memref_squeeze %dma_start3A_60 : memref<1x!tpu.dma_semaphore, #tpu.memory_space<semaphore_mem>> -> memref<!tpu.dma_semaphore, #tpu.memory_space<semaphore_mem>>
      tpu.enqueue_indirect_dma source(%dma_start3A_59 : memref<1000000x32xf32, #tpu.memory_space<hbm>>) target(%dma_start3A_53 : memref<256x32xf32, #tpu.memory_space<vmem>>) offsets(%dma_start3A_56 : memref<256xi32, #tpu.memory_space<vmem>>) semaphore(%dma_start3A_61 : memref<!tpu.dma_semaphore, #tpu.memory_space<semaphore_mem>>)
      %mul3A_62 = arith.constant 13 : i32
      %mul3A_63 = arith.muli %scan3A_8, %mul3A_62 : i32
      %add3A_64 = arith.constant 3 : i32
      %add3A_65 = arith.addi %mul3A_63, %add3A_64 : i32
      %dma_start3A_66 = arith.constant 3 : i32
      %dma_start3A_67 = arith.constant 3 : i32
      %dma_start3A_68 = arith.constant 0 : i32
      %dma_start3A_69 = arith.constant 0 : i32
      %dma_start3A_70 = tpu.memref_slice %arg6[%dma_start3A_66, %dma_start3A_68, %dma_start3A_69] : memref<13x256x32xf32, #tpu.memory_space<vmem>> -> memref<1x256x32xf32, #tpu.memory_space<vmem>>
      %dma_start3A_71 = tpu.memref_squeeze %dma_start3A_70 : memref<1x256x32xf32, #tpu.memory_space<vmem>> -> memref<256x32xf32, #tpu.memory_space<vmem>>
      %dma_start3A_72 = arith.constant 0 : i32
      %dma_start3A_73 = tpu.memref_slice %arg5[%add3A_65, %dma_start3A_72] : memref<52x256xi32, #tpu.memory_space<vmem>> -> memref<1x256xi32, #tpu.memory_space<vmem>>
      %dma_start3A_74 = tpu.memref_squeeze %dma_start3A_73 : memref<1x256xi32, #tpu.memory_space<vmem>> -> memref<256xi32, #tpu.memory_space<vmem>>
      %dma_start3A_75 = arith.constant 0 : i32
      %dma_start3A_76 = arith.constant 0 : i32
      %dma_start3A_77 = tpu.memref_slice %arg3[%dma_start3A_75, %dma_start3A_76] : memref<1000000x32xf32, #tpu.memory_space<hbm>> -> memref<1000000x32xf32, #tpu.memory_space<hbm>>
      %dma_start3A_78 = tpu.memref_slice %arg7[%dma_start3A_67] : memref<13x!tpu.dma_semaphore, #tpu.memory_space<semaphore_mem>> -> memref<1x!tpu.dma_semaphore, #tpu.memory_space<semaphore_mem>>
      %dma_start3A_79 = tpu.memref_squeeze %dma_start3A_78 : memref<1x!tpu.dma_semaphore, #tpu.memory_space<semaphore_mem>> -> memref<!tpu.dma_semaphore, #tpu.memory_space<semaphore_mem>>
      tpu.enqueue_indirect_dma source(%dma_start3A_77 : memref<1000000x32xf32, #tpu.memory_space<hbm>>) target(%dma_start3A_71 : memref<256x32xf32, #tpu.memory_space<vmem>>) offsets(%dma_start3A_74 : memref<256xi32, #tpu.memory_space<vmem>>) semaphore(%dma_start3A_79 : memref<!tpu.dma_semaphore, #tpu.memory_space<semaphore_mem>>)
      %mul3A_80 = arith.constant 13 : i32
      %mul3A_81 = arith.muli %scan3A_8, %mul3A_80 : i32
      %add3A_82 = arith.constant 4 : i32
      %add3A_83 = arith.addi %mul3A_81, %add3A_82 : i32
      %dma_start3A_84 = arith.constant 4 : i32
      %dma_start3A_85 = arith.constant 4 : i32
      %dma_start3A_86 = arith.constant 0 : i32
      %dma_start3A_87 = arith.constant 0 : i32
      %dma_start3A_88 = tpu.memref_slice %arg6[%dma_start3A_84, %dma_start3A_86, %dma_start3A_87] : memref<13x256x32xf32, #tpu.memory_space<vmem>> -> memref<1x256x32xf32, #tpu.memory_space<vmem>>
      %dma_start3A_89 = tpu.memref_squeeze %dma_start3A_88 : memref<1x256x32xf32, #tpu.memory_space<vmem>> -> memref<256x32xf32, #tpu.memory_space<vmem>>
      %dma_start3A_90 = arith.constant 0 : i32
      %dma_start3A_91 = tpu.memref_slice %arg5[%add3A_83, %dma_start3A_90] : memref<52x256xi32, #tpu.memory_space<vmem>> -> memref<1x256xi32, #tpu.memory_space<vmem>>
      %dma_start3A_92 = tpu.memref_squeeze %dma_start3A_91 : memref<1x256xi32, #tpu.memory_space<vmem>> -> memref<256xi32, #tpu.memory_space<vmem>>
      %dma_start3A_93 = arith.constant 0 : i32
      %dma_start3A_94 = arith.constant 0 : i32
      %dma_start3A_95 = tpu.memref_slice %arg3[%dma_start3A_93, %dma_start3A_94] : memref<1000000x32xf32, #tpu.memory_space<hbm>> -> memref<1000000x32xf32, #tpu.memory_space<hbm>>
      %dma_start3A_96 = tpu.memref_slice %arg7[%dma_start3A_85] : memref<13x!tpu.dma_semaphore, #tpu.memory_space<semaphore_mem>> -> memref<1x!tpu.dma_semaphore, #tpu.memory_space<semaphore_mem>>
      %dma_start3A_97 = tpu.memref_squeeze %dma_start3A_96 : memref<1x!tpu.dma_semaphore, #tpu.memory_space<semaphore_mem>> -> memref<!tpu.dma_semaphore, #tpu.memory_space<semaphore_mem>>
      tpu.enqueue_indirect_dma source(%dma_start3A_95 : memref<1000000x32xf32, #tpu.memory_space<hbm>>) target(%dma_start3A_89 : memref<256x32xf32, #tpu.memory_space<vmem>>) offsets(%dma_start3A_92 : memref<256xi32, #tpu.memory_space<vmem>>) semaphore(%dma_start3A_97 : memref<!tpu.dma_semaphore, #tpu.memory_space<semaphore_mem>>)
      %mul3A_98 = arith.constant 13 : i32
      %mul3A_99 = arith.muli %scan3A_8, %mul3A_98 : i32
      %add3A_100 = arith.constant 5 : i32
      %add3A_101 = arith.addi %mul3A_99, %add3A_100 : i32
      %dma_start3A_102 = arith.constant 5 : i32
      %dma_start3A_103 = arith.constant 5 : i32
      %dma_start3A_104 = arith.constant 0 : i32
      %dma_start3A_105 = arith.constant 0 : i32
      %dma_start3A_106 = tpu.memref_slice %arg6[%dma_start3A_102, %dma_start3A_104, %dma_start3A_105] : memref<13x256x32xf32, #tpu.memory_space<vmem>> -> memref<1x256x32xf32, #tpu.memory_space<vmem>>
      %dma_start3A_107 = tpu.memref_squeeze %dma_start3A_106 : memref<1x256x32xf32, #tpu.memory_space<vmem>> -> memref<256x32xf32, #tpu.memory_space<vmem>>
      %dma_start3A_108 = arith.constant 0 : i32
      %dma_start3A_109 = tpu.memref_slice %arg5[%add3A_101, %dma_start3A_108] : memref<52x256xi32, #tpu.memory_space<vmem>> -> memref<1x256xi32, #tpu.memory_space<vmem>>
      %dma_start3A_110 = tpu.memref_squeeze %dma_start3A_109 : memref<1x256xi32, #tpu.memory_space<vmem>> -> memref<256xi32, #tpu.memory_space<vmem>>
      %dma_start3A_111 = arith.constant 0 : i32
      %dma_start3A_112 = arith.constant 0 : i32
      %dma_start3A_113 = tpu.memref_slice %arg3[%dma_start3A_111, %dma_start3A_112] : memref<1000000x32xf32, #tpu.memory_space<hbm>> -> memref<1000000x32xf32, #tpu.memory_space<hbm>>
      %dma_start3A_114 = tpu.memref_slice %arg7[%dma_start3A_103] : memref<13x!tpu.dma_semaphore, #tpu.memory_space<semaphore_mem>> -> memref<1x!tpu.dma_semaphore, #tpu.memory_space<semaphore_mem>>
      %dma_start3A_115 = tpu.memref_squeeze %dma_start3A_114 : memref<1x!tpu.dma_semaphore, #tpu.memory_space<semaphore_mem>> -> memref<!tpu.dma_semaphore, #tpu.memory_space<semaphore_mem>>
      tpu.enqueue_indirect_dma source(%dma_start3A_113 : memref<1000000x32xf32, #tpu.memory_space<hbm>>) target(%dma_start3A_107 : memref<256x32xf32, #tpu.memory_space<vmem>>) offsets(%dma_start3A_110 : memref<256xi32, #tpu.memory_space<vmem>>) semaphore(%dma_start3A_115 : memref<!tpu.dma_semaphore, #tpu.memory_space<semaphore_mem>>)
      %mul3A_116 = arith.constant 13 : i32
      %mul3A_117 = arith.muli %scan3A_8, %mul3A_116 : i32
      %add3A_118 = arith.constant 6 : i32
      %add3A_119 = arith.addi %mul3A_117, %add3A_118 : i32
      %dma_start3A_120 = arith.constant 6 : i32
      %dma_start3A_121 = arith.constant 6 : i32
      %dma_start3A_122 = arith.constant 0 : i32
      %dma_start3A_123 = arith.constant 0 : i32
      %dma_start3A_124 = tpu.memref_slice %arg6[%dma_start3A_120, %dma_start3A_122, %dma_start3A_123] : memref<13x256x32xf32, #tpu.memory_space<vmem>> -> memref<1x256x32xf32, #tpu.memory_space<vmem>>
      %dma_start3A_125 = tpu.memref_squeeze %dma_start3A_124 : memref<1x256x32xf32, #tpu.memory_space<vmem>> -> memref<256x32xf32, #tpu.memory_space<vmem>>
      %dma_start3A_126 = arith.constant 0 : i32
      %dma_start3A_127 = tpu.memref_slice %arg5[%add3A_119, %dma_start3A_126] : memref<52x256xi32, #tpu.memory_space<vmem>> -> memref<1x256xi32, #tpu.memory_space<vmem>>
      %dma_start3A_128 = tpu.memref_squeeze %dma_start3A_127 : memref<1x256xi32, #tpu.memory_space<vmem>> -> memref<256xi32, #tpu.memory_space<vmem>>
      %dma_start3A_129 = arith.constant 0 : i32
      %dma_start3A_130 = arith.constant 0 : i32
      %dma_start3A_131 = tpu.memref_slice %arg3[%dma_start3A_129, %dma_start3A_130] : memref<1000000x32xf32, #tpu.memory_space<hbm>> -> memref<1000000x32xf32, #tpu.memory_space<hbm>>
      %dma_start3A_132 = tpu.memref_slice %arg7[%dma_start3A_121] : memref<13x!tpu.dma_semaphore, #tpu.memory_space<semaphore_mem>> -> memref<1x!tpu.dma_semaphore, #tpu.memory_space<semaphore_mem>>
      %dma_start3A_133 = tpu.memref_squeeze %dma_start3A_132 : memref<1x!tpu.dma_semaphore, #tpu.memory_space<semaphore_mem>> -> memref<!tpu.dma_semaphore, #tpu.memory_space<semaphore_mem>>
      tpu.enqueue_indirect_dma source(%dma_start3A_131 : memref<1000000x32xf32, #tpu.memory_space<hbm>>) target(%dma_start3A_125 : memref<256x32xf32, #tpu.memory_space<vmem>>) offsets(%dma_start3A_128 : memref<256xi32, #tpu.memory_space<vmem>>) semaphore(%dma_start3A_133 : memref<!tpu.dma_semaphore, #tpu.memory_space<semaphore_mem>>)
      %mul3A_134 = arith.constant 13 : i32
      %mul3A_135 = arith.muli %scan3A_8, %mul3A_134 : i32
      %add3A_136 = arith.constant 7 : i32
      %add3A_137 = arith.addi %mul3A_135, %add3A_136 : i32
      %dma_start3A_138 = arith.constant 7 : i32
      %dma_start3A_139 = arith.constant 7 : i32
      %dma_start3A_140 = arith.constant 0 : i32
      %dma_start3A_141 = arith.constant 0 : i32
      %dma_start3A_142 = tpu.memref_slice %arg6[%dma_start3A_138, %dma_start3A_140, %dma_start3A_141] : memref<13x256x32xf32, #tpu.memory_space<vmem>> -> memref<1x256x32xf32, #tpu.memory_space<vmem>>
      %dma_start3A_143 = tpu.memref_squeeze %dma_start3A_142 : memref<1x256x32xf32, #tpu.memory_space<vmem>> -> memref<256x32xf32, #tpu.memory_space<vmem>>
      %dma_start3A_144 = arith.constant 0 : i32
      %dma_start3A_145 = tpu.memref_slice %arg5[%add3A_137, %dma_start3A_144] : memref<52x256xi32, #tpu.memory_space<vmem>> -> memref<1x256xi32, #tpu.memory_space<vmem>>
      %dma_start3A_146 = tpu.memref_squeeze %dma_start3A_145 : memref<1x256xi32, #tpu.memory_space<vmem>> -> memref<256xi32, #tpu.memory_space<vmem>>
      %dma_start3A_147 = arith.constant 0 : i32
      %dma_start3A_148 = arith.constant 0 : i32
      %dma_start3A_149 = tpu.memref_slice %arg3[%dma_start3A_147, %dma_start3A_148] : memref<1000000x32xf32, #tpu.memory_space<hbm>> -> memref<1000000x32xf32, #tpu.memory_space<hbm>>
      %dma_start3A_150 = tpu.memref_slice %arg7[%dma_start3A_139] : memref<13x!tpu.dma_semaphore, #tpu.memory_space<semaphore_mem>> -> memref<1x!tpu.dma_semaphore, #tpu.memory_space<semaphore_mem>>
      %dma_start3A_151 = tpu.memref_squeeze %dma_start3A_150 : memref<1x!tpu.dma_semaphore, #tpu.memory_space<semaphore_mem>> -> memref<!tpu.dma_semaphore, #tpu.memory_space<semaphore_mem>>
      tpu.enqueue_indirect_dma source(%dma_start3A_149 : memref<1000000x32xf32, #tpu.memory_space<hbm>>) target(%dma_start3A_143 : memref<256x32xf32, #tpu.memory_space<vmem>>) offsets(%dma_start3A_146 : memref<256xi32, #tpu.memory_space<vmem>>) semaphore(%dma_start3A_151 : memref<!tpu.dma_semaphore, #tpu.memory_space<semaphore_mem>>)
      %mul3A_152 = arith.constant 13 : i32
      %mul3A_153 = arith.muli %scan3A_8, %mul3A_152 : i32
      %add3A_154 = arith.constant 8 : i32
      %add3A_155 = arith.addi %mul3A_153, %add3A_154 : i32
      %dma_start3A_156 = arith.constant 8 : i32
      %dma_start3A_157 = arith.constant 8 : i32
      %dma_start3A_158 = arith.constant 0 : i32
      %dma_start3A_159 = arith.constant 0 : i32
      %dma_start3A_160 = tpu.memref_slice %arg6[%dma_start3A_156, %dma_start3A_158, %dma_start3A_159] : memref<13x256x32xf32, #tpu.memory_space<vmem>> -> memref<1x256x32xf32, #tpu.memory_space<vmem>>
      %dma_start3A_161 = tpu.memref_squeeze %dma_start3A_160 : memref<1x256x32xf32, #tpu.memory_space<vmem>> -> memref<256x32xf32, #tpu.memory_space<vmem>>
      %dma_start3A_162 = arith.constant 0 : i32
      %dma_start3A_163 = tpu.memref_slice %arg5[%add3A_155, %dma_start3A_162] : memref<52x256xi32, #tpu.memory_space<vmem>> -> memref<1x256xi32, #tpu.memory_space<vmem>>
      %dma_start3A_164 = tpu.memref_squeeze %dma_start3A_163 : memref<1x256xi32, #tpu.memory_space<vmem>> -> memref<256xi32, #tpu.memory_space<vmem>>
      %dma_start3A_165 = arith.constant 0 : i32
      %dma_start3A_166 = arith.constant 0 : i32
      %dma_start3A_167 = tpu.memref_slice %arg3[%dma_start3A_165, %dma_start3A_166] : memref<1000000x32xf32, #tpu.memory_space<hbm>> -> memref<1000000x32xf32, #tpu.memory_space<hbm>>
      %dma_start3A_168 = tpu.memref_slice %arg7[%dma_start3A_157] : memref<13x!tpu.dma_semaphore, #tpu.memory_space<semaphore_mem>> -> memref<1x!tpu.dma_semaphore, #tpu.memory_space<semaphore_mem>>
      %dma_start3A_169 = tpu.memref_squeeze %dma_start3A_168 : memref<1x!tpu.dma_semaphore, #tpu.memory_space<semaphore_mem>> -> memref<!tpu.dma_semaphore, #tpu.memory_space<semaphore_mem>>
      tpu.enqueue_indirect_dma source(%dma_start3A_167 : memref<1000000x32xf32, #tpu.memory_space<hbm>>) target(%dma_start3A_161 : memref<256x32xf32, #tpu.memory_space<vmem>>) offsets(%dma_start3A_164 : memref<256xi32, #tpu.memory_space<vmem>>) semaphore(%dma_start3A_169 : memref<!tpu.dma_semaphore, #tpu.memory_space<semaphore_mem>>)
      %mul3A_170 = arith.constant 13 : i32
      %mul3A_171 = arith.muli %scan3A_8, %mul3A_170 : i32
      %add3A_172 = arith.constant 9 : i32
      %add3A_173 = arith.addi %mul3A_171, %add3A_172 : i32
      %dma_start3A_174 = arith.constant 9 : i32
      %dma_start3A_175 = arith.constant 9 : i32
      %dma_start3A_176 = arith.constant 0 : i32
      %dma_start3A_177 = arith.constant 0 : i32
      %dma_start3A_178 = tpu.memref_slice %arg6[%dma_start3A_174, %dma_start3A_176, %dma_start3A_177] : memref<13x256x32xf32, #tpu.memory_space<vmem>> -> memref<1x256x32xf32, #tpu.memory_space<vmem>>
      %dma_start3A_179 = tpu.memref_squeeze %dma_start3A_178 : memref<1x256x32xf32, #tpu.memory_space<vmem>> -> memref<256x32xf32, #tpu.memory_space<vmem>>
      %dma_start3A_180 = arith.constant 0 : i32
      %dma_start3A_181 = tpu.memref_slice %arg5[%add3A_173, %dma_start3A_180] : memref<52x256xi32, #tpu.memory_space<vmem>> -> memref<1x256xi32, #tpu.memory_space<vmem>>
      %dma_start3A_182 = tpu.memref_squeeze %dma_start3A_181 : memref<1x256xi32, #tpu.memory_space<vmem>> -> memref<256xi32, #tpu.memory_space<vmem>>
      %dma_start3A_183 = arith.constant 0 : i32
      %dma_start3A_184 = arith.constant 0 : i32
      %dma_start3A_185 = tpu.memref_slice %arg3[%dma_start3A_183, %dma_start3A_184] : memref<1000000x32xf32, #tpu.memory_space<hbm>> -> memref<1000000x32xf32, #tpu.memory_space<hbm>>
      %dma_start3A_186 = tpu.memref_slice %arg7[%dma_start3A_175] : memref<13x!tpu.dma_semaphore, #tpu.memory_space<semaphore_mem>> -> memref<1x!tpu.dma_semaphore, #tpu.memory_space<semaphore_mem>>
      %dma_start3A_187 = tpu.memref_squeeze %dma_start3A_186 : memref<1x!tpu.dma_semaphore, #tpu.memory_space<semaphore_mem>> -> memref<!tpu.dma_semaphore, #tpu.memory_space<semaphore_mem>>
      tpu.enqueue_indirect_dma source(%dma_start3A_185 : memref<1000000x32xf32, #tpu.memory_space<hbm>>) target(%dma_start3A_179 : memref<256x32xf32, #tpu.memory_space<vmem>>) offsets(%dma_start3A_182 : memref<256xi32, #tpu.memory_space<vmem>>) semaphore(%dma_start3A_187 : memref<!tpu.dma_semaphore, #tpu.memory_space<semaphore_mem>>)
      %mul3A_188 = arith.constant 13 : i32
      %mul3A_189 = arith.muli %scan3A_8, %mul3A_188 : i32
      %add3A_190 = arith.constant 10 : i32
      %add3A_191 = arith.addi %mul3A_189, %add3A_190 : i32
      %dma_start3A_192 = arith.constant 10 : i32
      %dma_start3A_193 = arith.constant 10 : i32
      %dma_start3A_194 = arith.constant 0 : i32
      %dma_start3A_195 = arith.constant 0 : i32
      %dma_start3A_196 = tpu.memref_slice %arg6[%dma_start3A_192, %dma_start3A_194, %dma_start3A_195] : memref<13x256x32xf32, #tpu.memory_space<vmem>> -> memref<1x256x32xf32, #tpu.memory_space<vmem>>
      %dma_start3A_197 = tpu.memref_squeeze %dma_start3A_196 : memref<1x256x32xf32, #tpu.memory_space<vmem>> -> memref<256x32xf32, #tpu.memory_space<vmem>>
      %dma_start3A_198 = arith.constant 0 : i32
      %dma_start3A_199 = tpu.memref_slice %arg5[%add3A_191, %dma_start3A_198] : memref<52x256xi32, #tpu.memory_space<vmem>> -> memref<1x256xi32, #tpu.memory_space<vmem>>
      %dma_start3A_200 = tpu.memref_squeeze %dma_start3A_199 : memref<1x256xi32, #tpu.memory_space<vmem>> -> memref<256xi32, #tpu.memory_space<vmem>>
      %dma_start3A_201 = arith.constant 0 : i32
      %dma_start3A_202 = arith.constant 0 : i32
      %dma_start3A_203 = tpu.memref_slice %arg3[%dma_start3A_201, %dma_start3A_202] : memref<1000000x32xf32, #tpu.memory_space<hbm>> -> memref<1000000x32xf32, #tpu.memory_space<hbm>>
      %dma_start3A_204 = tpu.memref_slice %arg7[%dma_start3A_193] : memref<13x!tpu.dma_semaphore, #tpu.memory_space<semaphore_mem>> -> memref<1x!tpu.dma_semaphore, #tpu.memory_space<semaphore_mem>>
      %dma_start3A_205 = tpu.memref_squeeze %dma_start3A_204 : memref<1x!tpu.dma_semaphore, #tpu.memory_space<semaphore_mem>> -> memref<!tpu.dma_semaphore, #tpu.memory_space<semaphore_mem>>
      tpu.enqueue_indirect_dma source(%dma_start3A_203 : memref<1000000x32xf32, #tpu.memory_space<hbm>>) target(%dma_start3A_197 : memref<256x32xf32, #tpu.memory_space<vmem>>) offsets(%dma_start3A_200 : memref<256xi32, #tpu.memory_space<vmem>>) semaphore(%dma_start3A_205 : memref<!tpu.dma_semaphore, #tpu.memory_space<semaphore_mem>>)
      %mul3A_206 = arith.constant 13 : i32
      %mul3A_207 = arith.muli %scan3A_8, %mul3A_206 : i32
      %add3A_208 = arith.constant 11 : i32
      %add3A_209 = arith.addi %mul3A_207, %add3A_208 : i32
      %dma_start3A_210 = arith.constant 11 : i32
      %dma_start3A_211 = arith.constant 11 : i32
      %dma_start3A_212 = arith.constant 0 : i32
      %dma_start3A_213 = arith.constant 0 : i32
      %dma_start3A_214 = tpu.memref_slice %arg6[%dma_start3A_210, %dma_start3A_212, %dma_start3A_213] : memref<13x256x32xf32, #tpu.memory_space<vmem>> -> memref<1x256x32xf32, #tpu.memory_space<vmem>>
      %dma_start3A_215 = tpu.memref_squeeze %dma_start3A_214 : memref<1x256x32xf32, #tpu.memory_space<vmem>> -> memref<256x32xf32, #tpu.memory_space<vmem>>
      %dma_start3A_216 = arith.constant 0 : i32
      %dma_start3A_217 = tpu.memref_slice %arg5[%add3A_209, %dma_start3A_216] : memref<52x256xi32, #tpu.memory_space<vmem>> -> memref<1x256xi32, #tpu.memory_space<vmem>>
      %dma_start3A_218 = tpu.memref_squeeze %dma_start3A_217 : memref<1x256xi32, #tpu.memory_space<vmem>> -> memref<256xi32, #tpu.memory_space<vmem>>
      %dma_start3A_219 = arith.constant 0 : i32
      %dma_start3A_220 = arith.constant 0 : i32
      %dma_start3A_221 = tpu.memref_slice %arg3[%dma_start3A_219, %dma_start3A_220] : memref<1000000x32xf32, #tpu.memory_space<hbm>> -> memref<1000000x32xf32, #tpu.memory_space<hbm>>
      %dma_start3A_222 = tpu.memref_slice %arg7[%dma_start3A_211] : memref<13x!tpu.dma_semaphore, #tpu.memory_space<semaphore_mem>> -> memref<1x!tpu.dma_semaphore, #tpu.memory_space<semaphore_mem>>
      %dma_start3A_223 = tpu.memref_squeeze %dma_start3A_222 : memref<1x!tpu.dma_semaphore, #tpu.memory_space<semaphore_mem>> -> memref<!tpu.dma_semaphore, #tpu.memory_space<semaphore_mem>>
      tpu.enqueue_indirect_dma source(%dma_start3A_221 : memref<1000000x32xf32, #tpu.memory_space<hbm>>) target(%dma_start3A_215 : memref<256x32xf32, #tpu.memory_space<vmem>>) offsets(%dma_start3A_218 : memref<256xi32, #tpu.memory_space<vmem>>) semaphore(%dma_start3A_223 : memref<!tpu.dma_semaphore, #tpu.memory_space<semaphore_mem>>)
      %mul3A_224 = arith.constant 13 : i32
      %mul3A_225 = arith.muli %scan3A_8, %mul3A_224 : i32
      %add3A_226 = arith.constant 12 : i32
      %add3A_227 = arith.addi %mul3A_225, %add3A_226 : i32
      %dma_start3A_228 = arith.constant 12 : i32
      %dma_start3A_229 = arith.constant 12 : i32
      %dma_start3A_230 = arith.constant 0 : i32
      %dma_start3A_231 = arith.constant 0 : i32
      %dma_start3A_232 = tpu.memref_slice %arg6[%dma_start3A_228, %dma_start3A_230, %dma_start3A_231] : memref<13x256x32xf32, #tpu.memory_space<vmem>> -> memref<1x256x32xf32, #tpu.memory_space<vmem>>
      %dma_start3A_233 = tpu.memref_squeeze %dma_start3A_232 : memref<1x256x32xf32, #tpu.memory_space<vmem>> -> memref<256x32xf32, #tpu.memory_space<vmem>>
      %dma_start3A_234 = arith.constant 0 : i32
      %dma_start3A_235 = tpu.memref_slice %arg5[%add3A_227, %dma_start3A_234] : memref<52x256xi32, #tpu.memory_space<vmem>> -> memref<1x256xi32, #tpu.memory_space<vmem>>
      %dma_start3A_236 = tpu.memref_squeeze %dma_start3A_235 : memref<1x256xi32, #tpu.memory_space<vmem>> -> memref<256xi32, #tpu.memory_space<vmem>>
      %dma_start3A_237 = arith.constant 0 : i32
      %dma_start3A_238 = arith.constant 0 : i32
      %dma_start3A_239 = tpu.memref_slice %arg3[%dma_start3A_237, %dma_start3A_238] : memref<1000000x32xf32, #tpu.memory_space<hbm>> -> memref<1000000x32xf32, #tpu.memory_space<hbm>>
      %dma_start3A_240 = tpu.memref_slice %arg7[%dma_start3A_229] : memref<13x!tpu.dma_semaphore, #tpu.memory_space<semaphore_mem>> -> memref<1x!tpu.dma_semaphore, #tpu.memory_space<semaphore_mem>>
      %dma_start3A_241 = tpu.memref_squeeze %dma_start3A_240 : memref<1x!tpu.dma_semaphore, #tpu.memory_space<semaphore_mem>> -> memref<!tpu.dma_semaphore, #tpu.memory_space<semaphore_mem>>
      tpu.enqueue_indirect_dma source(%dma_start3A_239 : memref<1000000x32xf32, #tpu.memory_space<hbm>>) target(%dma_start3A_233 : memref<256x32xf32, #tpu.memory_space<vmem>>) offsets(%dma_start3A_236 : memref<256xi32, #tpu.memory_space<vmem>>) semaphore(%dma_start3A_241 : memref<!tpu.dma_semaphore, #tpu.memory_space<semaphore_mem>>)
      %mul3A_242 = arith.constant 13 : i32
      %mul3A_243 = arith.muli %scan3A_8, %mul3A_242 : i32
      %add3A_244 = arith.constant 0 : i32
      %add3A_245 = arith.addi %mul3A_243, %add3A_244 : i32
      %dma_wait3A = arith.constant 0 : i32
      %dma_wait3A_246 = arith.constant 0 : i32
      %dma_wait3A_247 = arith.constant 0 : i32
      %dma_wait3A_248 = arith.constant 0 : i32
      %dma_wait3A_249 = tpu.memref_slice %arg6[%dma_wait3A, %dma_wait3A_247, %dma_wait3A_248] : memref<13x256x32xf32, #tpu.memory_space<vmem>> -> memref<1x256x32xf32, #tpu.memory_space<vmem>>
      %dma_wait3A_250 = tpu.memref_squeeze %dma_wait3A_249 : memref<1x256x32xf32, #tpu.memory_space<vmem>> -> memref<256x32xf32, #tpu.memory_space<vmem>>
      %dma_wait3A_251 = arith.constant 0 : i32
      %dma_wait3A_252 = tpu.memref_slice %arg5[%add3A_12, %dma_wait3A_251] : memref<52x256xi32, #tpu.memory_space<vmem>> -> memref<1x256xi32, #tpu.memory_space<vmem>>
      %dma_wait3A_253 = tpu.memref_squeeze %dma_wait3A_252 : memref<1x256xi32, #tpu.memory_space<vmem>> -> memref<256xi32, #tpu.memory_space<vmem>>
      %dma_wait3A_254 = arith.constant 0 : i32
      %dma_wait3A_255 = arith.constant 0 : i32
      %dma_wait3A_256 = tpu.memref_slice %arg3[%dma_wait3A_254, %dma_wait3A_255] : memref<1000000x32xf32, #tpu.memory_space<hbm>> -> memref<1000000x32xf32, #tpu.memory_space<hbm>>
      %dma_wait3A_257 = tpu.memref_slice %arg7[%dma_wait3A_246] : memref<13x!tpu.dma_semaphore, #tpu.memory_space<semaphore_mem>> -> memref<1x!tpu.dma_semaphore, #tpu.memory_space<semaphore_mem>>
      %dma_wait3A_258 = tpu.memref_squeeze %dma_wait3A_257 : memref<1x!tpu.dma_semaphore, #tpu.memory_space<semaphore_mem>> -> memref<!tpu.dma_semaphore, #tpu.memory_space<semaphore_mem>>
      tpu.wait_indirect_dma semaphore(%dma_wait3A_258 : memref<!tpu.dma_semaphore, #tpu.memory_space<semaphore_mem>>) src(%dma_wait3A_256 : memref<1000000x32xf32, #tpu.memory_space<hbm>>) dst(%dma_wait3A_250 : memref<256x32xf32, #tpu.memory_space<vmem>>)
      %mul3A_259 = arith.constant 256 : i32
      %mul3A_260 = arith.muli %add3A_245, %mul3A_259 : i32
      %add3A_261 = arith.addi %mul3A_2, %mul3A_260 : i32
      %run_scoped3A = arith.constant 0 : i32
      "tpu.region"() ({
        %run_scoped3A_526 = tpu.sem_alloc : memref<!tpu.dma_semaphore, #tpu.memory_space<semaphore_mem>>
        %dma_start3A_527 = arith.constant 0 : i32
        %dma_start3A_528 = arith.constant 0 : i32
        %dma_start3A_529 = tpu.memref_slice %arg6[%run_scoped3A, %dma_start3A_527, %dma_start3A_528] : memref<13x256x32xf32, #tpu.memory_space<vmem>> -> memref<1x256x32xf32, #tpu.memory_space<vmem>>
        %dma_start3A_530 = tpu.memref_squeeze %dma_start3A_529 : memref<1x256x32xf32, #tpu.memory_space<vmem>> -> memref<256x32xf32, #tpu.memory_space<vmem>>
        %dma_start3A_531 = arith.constant 0 : i32
        %dma_start3A_532 = tpu.memref_slice %arg4[%add3A_261, %dma_start3A_531] : memref<425984x32xf32, #tpu.memory_space<hbm>> -> memref<256x32xf32, #tpu.memory_space<hbm>>
        %dma_start3A_533 = arith.constant 0 : i32
        %dma_start3A_534 = tpu.memref_slice %arg4[%add3A_261, %dma_start3A_533] : memref<425984x32xf32, #tpu.memory_space<hbm>> -> memref<256x32xf32, #tpu.memory_space<hbm>>
        %dma_start3A_535 = arith.constant 0 : i32
        %dma_start3A_536 = arith.constant 0 : i32
        %dma_start3A_537 = tpu.memref_slice %arg6[%run_scoped3A, %dma_start3A_535, %dma_start3A_536] : memref<13x256x32xf32, #tpu.memory_space<vmem>> -> memref<1x256x32xf32, #tpu.memory_space<vmem>>
        %dma_start3A_538 = tpu.memref_squeeze %dma_start3A_537 : memref<1x256x32xf32, #tpu.memory_space<vmem>> -> memref<256x32xf32, #tpu.memory_space<vmem>>
        tpu.enqueue_dma source(%dma_start3A_538 : memref<256x32xf32, #tpu.memory_space<vmem>>) target(%dma_start3A_534 : memref<256x32xf32, #tpu.memory_space<hbm>>) target_semaphore(%run_scoped3A_526 : memref<!tpu.dma_semaphore, #tpu.memory_space<semaphore_mem>>)
        %dma_wait3A_539 = arith.constant 0 : i32
        %dma_wait3A_540 = arith.constant 0 : i32
        %dma_wait3A_541 = tpu.memref_slice %arg6[%run_scoped3A, %dma_wait3A_539, %dma_wait3A_540] : memref<13x256x32xf32, #tpu.memory_space<vmem>> -> memref<1x256x32xf32, #tpu.memory_space<vmem>>
        %dma_wait3A_542 = tpu.memref_squeeze %dma_wait3A_541 : memref<1x256x32xf32, #tpu.memory_space<vmem>> -> memref<256x32xf32, #tpu.memory_space<vmem>>
        %dma_wait3A_543 = arith.constant 0 : i32
        %dma_wait3A_544 = tpu.memref_slice %arg4[%add3A_261, %dma_wait3A_543] : memref<425984x32xf32, #tpu.memory_space<hbm>> -> memref<256x32xf32, #tpu.memory_space<hbm>>
        %dma_wait3A_545 = arith.constant 0 : i32
        %dma_wait3A_546 = tpu.memref_slice %arg4[%add3A_261, %dma_wait3A_545] : memref<425984x32xf32, #tpu.memory_space<hbm>> -> memref<256x32xf32, #tpu.memory_space<hbm>>
        %dma_wait3A_547 = arith.constant 0 : i32
        %dma_wait3A_548 = arith.constant 0 : i32
        %dma_wait3A_549 = tpu.memref_slice %arg6[%run_scoped3A, %dma_wait3A_547, %dma_wait3A_548] : memref<13x256x32xf32, #tpu.memory_space<vmem>> -> memref<1x256x32xf32, #tpu.memory_space<vmem>>
        %dma_wait3A_550 = tpu.memref_squeeze %dma_wait3A_549 : memref<1x256x32xf32, #tpu.memory_space<vmem>> -> memref<256x32xf32, #tpu.memory_space<vmem>>
        tpu.wait_dma2 semaphore(%run_scoped3A_526 : memref<!tpu.dma_semaphore, #tpu.memory_space<semaphore_mem>>) src(%dma_wait3A_550 : memref<256x32xf32, #tpu.memory_space<vmem>>) dst(%dma_wait3A_546 : memref<256x32xf32, #tpu.memory_space<hbm>>)
        tpu.yield
      }) : () -> ()
      %mul3A_262 = arith.constant 13 : i32
      %mul3A_263 = arith.muli %scan3A_8, %mul3A_262 : i32
      %add3A_264 = arith.constant 1 : i32
      %add3A_265 = arith.addi %mul3A_263, %add3A_264 : i32
      %dma_wait3A_266 = arith.constant 1 : i32
      %dma_wait3A_267 = arith.constant 1 : i32
      %dma_wait3A_268 = arith.constant 0 : i32
      %dma_wait3A_269 = arith.constant 0 : i32
      %dma_wait3A_270 = tpu.memref_slice %arg6[%dma_wait3A_266, %dma_wait3A_268, %dma_wait3A_269] : memref<13x256x32xf32, #tpu.memory_space<vmem>> -> memref<1x256x32xf32, #tpu.memory_space<vmem>>
      %dma_wait3A_271 = tpu.memref_squeeze %dma_wait3A_270 : memref<1x256x32xf32, #tpu.memory_space<vmem>> -> memref<256x32xf32, #tpu.memory_space<vmem>>
      %dma_wait3A_272 = arith.constant 0 : i32
      %dma_wait3A_273 = tpu.memref_slice %arg5[%add3A_29, %dma_wait3A_272] : memref<52x256xi32, #tpu.memory_space<vmem>> -> memref<1x256xi32, #tpu.memory_space<vmem>>
      %dma_wait3A_274 = tpu.memref_squeeze %dma_wait3A_273 : memref<1x256xi32, #tpu.memory_space<vmem>> -> memref<256xi32, #tpu.memory_space<vmem>>
      %dma_wait3A_275 = arith.constant 0 : i32
      %dma_wait3A_276 = arith.constant 0 : i32
      %dma_wait3A_277 = tpu.memref_slice %arg3[%dma_wait3A_275, %dma_wait3A_276] : memref<1000000x32xf32, #tpu.memory_space<hbm>> -> memref<1000000x32xf32, #tpu.memory_space<hbm>>
      %dma_wait3A_278 = tpu.memref_slice %arg7[%dma_wait3A_267] : memref<13x!tpu.dma_semaphore, #tpu.memory_space<semaphore_mem>> -> memref<1x!tpu.dma_semaphore, #tpu.memory_space<semaphore_mem>>
      %dma_wait3A_279 = tpu.memref_squeeze %dma_wait3A_278 : memref<1x!tpu.dma_semaphore, #tpu.memory_space<semaphore_mem>> -> memref<!tpu.dma_semaphore, #tpu.memory_space<semaphore_mem>>
      tpu.wait_indirect_dma semaphore(%dma_wait3A_279 : memref<!tpu.dma_semaphore, #tpu.memory_space<semaphore_mem>>) src(%dma_wait3A_277 : memref<1000000x32xf32, #tpu.memory_space<hbm>>) dst(%dma_wait3A_271 : memref<256x32xf32, #tpu.memory_space<vmem>>)
      %mul3A_280 = arith.constant 256 : i32
      %mul3A_281 = arith.muli %add3A_265, %mul3A_280 : i32
      %add3A_282 = arith.addi %mul3A_2, %mul3A_281 : i32
      %run_scoped3A_283 = arith.constant 1 : i32
      "tpu.region"() ({
        %run_scoped3A_526 = tpu.sem_alloc : memref<!tpu.dma_semaphore, #tpu.memory_space<semaphore_mem>>
        %dma_start3A_527 = arith.constant 0 : i32
        %dma_start3A_528 = arith.constant 0 : i32
        %dma_start3A_529 = tpu.memref_slice %arg6[%run_scoped3A_283, %dma_start3A_527, %dma_start3A_528] : memref<13x256x32xf32, #tpu.memory_space<vmem>> -> memref<1x256x32xf32, #tpu.memory_space<vmem>>
        %dma_start3A_530 = tpu.memref_squeeze %dma_start3A_529 : memref<1x256x32xf32, #tpu.memory_space<vmem>> -> memref<256x32xf32, #tpu.memory_space<vmem>>
        %dma_start3A_531 = arith.constant 0 : i32
        %dma_start3A_532 = tpu.memref_slice %arg4[%add3A_282, %dma_start3A_531] : memref<425984x32xf32, #tpu.memory_space<hbm>> -> memref<256x32xf32, #tpu.memory_space<hbm>>
        %dma_start3A_533 = arith.constant 0 : i32
        %dma_start3A_534 = tpu.memref_slice %arg4[%add3A_282, %dma_start3A_533] : memref<425984x32xf32, #tpu.memory_space<hbm>> -> memref<256x32xf32, #tpu.memory_space<hbm>>
        %dma_start3A_535 = arith.constant 0 : i32
        %dma_start3A_536 = arith.constant 0 : i32
        %dma_start3A_537 = tpu.memref_slice %arg6[%run_scoped3A_283, %dma_start3A_535, %dma_start3A_536] : memref<13x256x32xf32, #tpu.memory_space<vmem>> -> memref<1x256x32xf32, #tpu.memory_space<vmem>>
        %dma_start3A_538 = tpu.memref_squeeze %dma_start3A_537 : memref<1x256x32xf32, #tpu.memory_space<vmem>> -> memref<256x32xf32, #tpu.memory_space<vmem>>
        tpu.enqueue_dma source(%dma_start3A_538 : memref<256x32xf32, #tpu.memory_space<vmem>>) target(%dma_start3A_534 : memref<256x32xf32, #tpu.memory_space<hbm>>) target_semaphore(%run_scoped3A_526 : memref<!tpu.dma_semaphore, #tpu.memory_space<semaphore_mem>>)
        %dma_wait3A_539 = arith.constant 0 : i32
        %dma_wait3A_540 = arith.constant 0 : i32
        %dma_wait3A_541 = tpu.memref_slice %arg6[%run_scoped3A_283, %dma_wait3A_539, %dma_wait3A_540] : memref<13x256x32xf32, #tpu.memory_space<vmem>> -> memref<1x256x32xf32, #tpu.memory_space<vmem>>
        %dma_wait3A_542 = tpu.memref_squeeze %dma_wait3A_541 : memref<1x256x32xf32, #tpu.memory_space<vmem>> -> memref<256x32xf32, #tpu.memory_space<vmem>>
        %dma_wait3A_543 = arith.constant 0 : i32
        %dma_wait3A_544 = tpu.memref_slice %arg4[%add3A_282, %dma_wait3A_543] : memref<425984x32xf32, #tpu.memory_space<hbm>> -> memref<256x32xf32, #tpu.memory_space<hbm>>
        %dma_wait3A_545 = arith.constant 0 : i32
        %dma_wait3A_546 = tpu.memref_slice %arg4[%add3A_282, %dma_wait3A_545] : memref<425984x32xf32, #tpu.memory_space<hbm>> -> memref<256x32xf32, #tpu.memory_space<hbm>>
        %dma_wait3A_547 = arith.constant 0 : i32
        %dma_wait3A_548 = arith.constant 0 : i32
        %dma_wait3A_549 = tpu.memref_slice %arg6[%run_scoped3A_283, %dma_wait3A_547, %dma_wait3A_548] : memref<13x256x32xf32, #tpu.memory_space<vmem>> -> memref<1x256x32xf32, #tpu.memory_space<vmem>>
        %dma_wait3A_550 = tpu.memref_squeeze %dma_wait3A_549 : memref<1x256x32xf32, #tpu.memory_space<vmem>> -> memref<256x32xf32, #tpu.memory_space<vmem>>
        tpu.wait_dma2 semaphore(%run_scoped3A_526 : memref<!tpu.dma_semaphore, #tpu.memory_space<semaphore_mem>>) src(%dma_wait3A_550 : memref<256x32xf32, #tpu.memory_space<vmem>>) dst(%dma_wait3A_546 : memref<256x32xf32, #tpu.memory_space<hbm>>)
        tpu.yield
      }) : () -> ()
      %mul3A_284 = arith.constant 13 : i32
      %mul3A_285 = arith.muli %scan3A_8, %mul3A_284 : i32
      %add3A_286 = arith.constant 2 : i32
      %add3A_287 = arith.addi %mul3A_285, %add3A_286 : i32
      %dma_wait3A_288 = arith.constant 2 : i32
      %dma_wait3A_289 = arith.constant 2 : i32
      %dma_wait3A_290 = arith.constant 0 : i32
      %dma_wait3A_291 = arith.constant 0 : i32
      %dma_wait3A_292 = tpu.memref_slice %arg6[%dma_wait3A_288, %dma_wait3A_290, %dma_wait3A_291] : memref<13x256x32xf32, #tpu.memory_space<vmem>> -> memref<1x256x32xf32, #tpu.memory_space<vmem>>
      %dma_wait3A_293 = tpu.memref_squeeze %dma_wait3A_292 : memref<1x256x32xf32, #tpu.memory_space<vmem>> -> memref<256x32xf32, #tpu.memory_space<vmem>>
      %dma_wait3A_294 = arith.constant 0 : i32
      %dma_wait3A_295 = tpu.memref_slice %arg5[%add3A_47, %dma_wait3A_294] : memref<52x256xi32, #tpu.memory_space<vmem>> -> memref<1x256xi32, #tpu.memory_space<vmem>>
      %dma_wait3A_296 = tpu.memref_squeeze %dma_wait3A_295 : memref<1x256xi32, #tpu.memory_space<vmem>> -> memref<256xi32, #tpu.memory_space<vmem>>
      %dma_wait3A_297 = arith.constant 0 : i32
      %dma_wait3A_298 = arith.constant 0 : i32
      %dma_wait3A_299 = tpu.memref_slice %arg3[%dma_wait3A_297, %dma_wait3A_298] : memref<1000000x32xf32, #tpu.memory_space<hbm>> -> memref<1000000x32xf32, #tpu.memory_space<hbm>>
      %dma_wait3A_300 = tpu.memref_slice %arg7[%dma_wait3A_289] : memref<13x!tpu.dma_semaphore, #tpu.memory_space<semaphore_mem>> -> memref<1x!tpu.dma_semaphore, #tpu.memory_space<semaphore_mem>>
      %dma_wait3A_301 = tpu.memref_squeeze %dma_wait3A_300 : memref<1x!tpu.dma_semaphore, #tpu.memory_space<semaphore_mem>> -> memref<!tpu.dma_semaphore, #tpu.memory_space<semaphore_mem>>
      tpu.wait_indirect_dma semaphore(%dma_wait3A_301 : memref<!tpu.dma_semaphore, #tpu.memory_space<semaphore_mem>>) src(%dma_wait3A_299 : memref<1000000x32xf32, #tpu.memory_space<hbm>>) dst(%dma_wait3A_293 : memref<256x32xf32, #tpu.memory_space<vmem>>)
      %mul3A_302 = arith.constant 256 : i32
      %mul3A_303 = arith.muli %add3A_287, %mul3A_302 : i32
      %add3A_304 = arith.addi %mul3A_2, %mul3A_303 : i32
      %run_scoped3A_305 = arith.constant 2 : i32
      "tpu.region"() ({
        %run_scoped3A_526 = tpu.sem_alloc : memref<!tpu.dma_semaphore, #tpu.memory_space<semaphore_mem>>
        %dma_start3A_527 = arith.constant 0 : i32
        %dma_start3A_528 = arith.constant 0 : i32
        %dma_start3A_529 = tpu.memref_slice %arg6[%run_scoped3A_305, %dma_start3A_527, %dma_start3A_528] : memref<13x256x32xf32, #tpu.memory_space<vmem>> -> memref<1x256x32xf32, #tpu.memory_space<vmem>>
        %dma_start3A_530 = tpu.memref_squeeze %dma_start3A_529 : memref<1x256x32xf32, #tpu.memory_space<vmem>> -> memref<256x32xf32, #tpu.memory_space<vmem>>
        %dma_start3A_531 = arith.constant 0 : i32
        %dma_start3A_532 = tpu.memref_slice %arg4[%add3A_304, %dma_start3A_531] : memref<425984x32xf32, #tpu.memory_space<hbm>> -> memref<256x32xf32, #tpu.memory_space<hbm>>
        %dma_start3A_533 = arith.constant 0 : i32
        %dma_start3A_534 = tpu.memref_slice %arg4[%add3A_304, %dma_start3A_533] : memref<425984x32xf32, #tpu.memory_space<hbm>> -> memref<256x32xf32, #tpu.memory_space<hbm>>
        %dma_start3A_535 = arith.constant 0 : i32
        %dma_start3A_536 = arith.constant 0 : i32
        %dma_start3A_537 = tpu.memref_slice %arg6[%run_scoped3A_305, %dma_start3A_535, %dma_start3A_536] : memref<13x256x32xf32, #tpu.memory_space<vmem>> -> memref<1x256x32xf32, #tpu.memory_space<vmem>>
        %dma_start3A_538 = tpu.memref_squeeze %dma_start3A_537 : memref<1x256x32xf32, #tpu.memory_space<vmem>> -> memref<256x32xf32, #tpu.memory_space<vmem>>
        tpu.enqueue_dma source(%dma_start3A_538 : memref<256x32xf32, #tpu.memory_space<vmem>>) target(%dma_start3A_534 : memref<256x32xf32, #tpu.memory_space<hbm>>) target_semaphore(%run_scoped3A_526 : memref<!tpu.dma_semaphore, #tpu.memory_space<semaphore_mem>>)
        %dma_wait3A_539 = arith.constant 0 : i32
        %dma_wait3A_540 = arith.constant 0 : i32
        %dma_wait3A_541 = tpu.memref_slice %arg6[%run_scoped3A_305, %dma_wait3A_539, %dma_wait3A_540] : memref<13x256x32xf32, #tpu.memory_space<vmem>> -> memref<1x256x32xf32, #tpu.memory_space<vmem>>
        %dma_wait3A_542 = tpu.memref_squeeze %dma_wait3A_541 : memref<1x256x32xf32, #tpu.memory_space<vmem>> -> memref<256x32xf32, #tpu.memory_space<vmem>>
        %dma_wait3A_543 = arith.constant 0 : i32
        %dma_wait3A_544 = tpu.memref_slice %arg4[%add3A_304, %dma_wait3A_543] : memref<425984x32xf32, #tpu.memory_space<hbm>> -> memref<256x32xf32, #tpu.memory_space<hbm>>
        %dma_wait3A_545 = arith.constant 0 : i32
        %dma_wait3A_546 = tpu.memref_slice %arg4[%add3A_304, %dma_wait3A_545] : memref<425984x32xf32, #tpu.memory_space<hbm>> -> memref<256x32xf32, #tpu.memory_space<hbm>>
        %dma_wait3A_547 = arith.constant 0 : i32
        %dma_wait3A_548 = arith.constant 0 : i32
        %dma_wait3A_549 = tpu.memref_slice %arg6[%run_scoped3A_305, %dma_wait3A_547, %dma_wait3A_548] : memref<13x256x32xf32, #tpu.memory_space<vmem>> -> memref<1x256x32xf32, #tpu.memory_space<vmem>>
        %dma_wait3A_550 = tpu.memref_squeeze %dma_wait3A_549 : memref<1x256x32xf32, #tpu.memory_space<vmem>> -> memref<256x32xf32, #tpu.memory_space<vmem>>
        tpu.wait_dma2 semaphore(%run_scoped3A_526 : memref<!tpu.dma_semaphore, #tpu.memory_space<semaphore_mem>>) src(%dma_wait3A_550 : memref<256x32xf32, #tpu.memory_space<vmem>>) dst(%dma_wait3A_546 : memref<256x32xf32, #tpu.memory_space<hbm>>)
        tpu.yield
      }) : () -> ()
      %mul3A_306 = arith.constant 13 : i32
      %mul3A_307 = arith.muli %scan3A_8, %mul3A_306 : i32
      %add3A_308 = arith.constant 3 : i32
      %add3A_309 = arith.addi %mul3A_307, %add3A_308 : i32
      %dma_wait3A_310 = arith.constant 3 : i32
      %dma_wait3A_311 = arith.constant 3 : i32
      %dma_wait3A_312 = arith.constant 0 : i32
      %dma_wait3A_313 = arith.constant 0 : i32
      %dma_wait3A_314 = tpu.memref_slice %arg6[%dma_wait3A_310, %dma_wait3A_312, %dma_wait3A_313] : memref<13x256x32xf32, #tpu.memory_space<vmem>> -> memref<1x256x32xf32, #tpu.memory_space<vmem>>
      %dma_wait3A_315 = tpu.memref_squeeze %dma_wait3A_314 : memref<1x256x32xf32, #tpu.memory_space<vmem>> -> memref<256x32xf32, #tpu.memory_space<vmem>>
      %dma_wait3A_316 = arith.constant 0 : i32
      %dma_wait3A_317 = tpu.memref_slice %arg5[%add3A_65, %dma_wait3A_316] : memref<52x256xi32, #tpu.memory_space<vmem>> -> memref<1x256xi32, #tpu.memory_space<vmem>>
      %dma_wait3A_318 = tpu.memref_squeeze %dma_wait3A_317 : memref<1x256xi32, #tpu.memory_space<vmem>> -> memref<256xi32, #tpu.memory_space<vmem>>
      %dma_wait3A_319 = arith.constant 0 : i32
      %dma_wait3A_320 = arith.constant 0 : i32
      %dma_wait3A_321 = tpu.memref_slice %arg3[%dma_wait3A_319, %dma_wait3A_320] : memref<1000000x32xf32, #tpu.memory_space<hbm>> -> memref<1000000x32xf32, #tpu.memory_space<hbm>>
      %dma_wait3A_322 = tpu.memref_slice %arg7[%dma_wait3A_311] : memref<13x!tpu.dma_semaphore, #tpu.memory_space<semaphore_mem>> -> memref<1x!tpu.dma_semaphore, #tpu.memory_space<semaphore_mem>>
      %dma_wait3A_323 = tpu.memref_squeeze %dma_wait3A_322 : memref<1x!tpu.dma_semaphore, #tpu.memory_space<semaphore_mem>> -> memref<!tpu.dma_semaphore, #tpu.memory_space<semaphore_mem>>
      tpu.wait_indirect_dma semaphore(%dma_wait3A_323 : memref<!tpu.dma_semaphore, #tpu.memory_space<semaphore_mem>>) src(%dma_wait3A_321 : memref<1000000x32xf32, #tpu.memory_space<hbm>>) dst(%dma_wait3A_315 : memref<256x32xf32, #tpu.memory_space<vmem>>)
      %mul3A_324 = arith.constant 256 : i32
      %mul3A_325 = arith.muli %add3A_309, %mul3A_324 : i32
      %add3A_326 = arith.addi %mul3A_2, %mul3A_325 : i32
      %run_scoped3A_327 = arith.constant 3 : i32
      "tpu.region"() ({
        %run_scoped3A_526 = tpu.sem_alloc : memref<!tpu.dma_semaphore, #tpu.memory_space<semaphore_mem>>
        %dma_start3A_527 = arith.constant 0 : i32
        %dma_start3A_528 = arith.constant 0 : i32
        %dma_start3A_529 = tpu.memref_slice %arg6[%run_scoped3A_327, %dma_start3A_527, %dma_start3A_528] : memref<13x256x32xf32, #tpu.memory_space<vmem>> -> memref<1x256x32xf32, #tpu.memory_space<vmem>>
        %dma_start3A_530 = tpu.memref_squeeze %dma_start3A_529 : memref<1x256x32xf32, #tpu.memory_space<vmem>> -> memref<256x32xf32, #tpu.memory_space<vmem>>
        %dma_start3A_531 = arith.constant 0 : i32
        %dma_start3A_532 = tpu.memref_slice %arg4[%add3A_326, %dma_start3A_531] : memref<425984x32xf32, #tpu.memory_space<hbm>> -> memref<256x32xf32, #tpu.memory_space<hbm>>
        %dma_start3A_533 = arith.constant 0 : i32
        %dma_start3A_534 = tpu.memref_slice %arg4[%add3A_326, %dma_start3A_533] : memref<425984x32xf32, #tpu.memory_space<hbm>> -> memref<256x32xf32, #tpu.memory_space<hbm>>
        %dma_start3A_535 = arith.constant 0 : i32
        %dma_start3A_536 = arith.constant 0 : i32
        %dma_start3A_537 = tpu.memref_slice %arg6[%run_scoped3A_327, %dma_start3A_535, %dma_start3A_536] : memref<13x256x32xf32, #tpu.memory_space<vmem>> -> memref<1x256x32xf32, #tpu.memory_space<vmem>>
        %dma_start3A_538 = tpu.memref_squeeze %dma_start3A_537 : memref<1x256x32xf32, #tpu.memory_space<vmem>> -> memref<256x32xf32, #tpu.memory_space<vmem>>
        tpu.enqueue_dma source(%dma_start3A_538 : memref<256x32xf32, #tpu.memory_space<vmem>>) target(%dma_start3A_534 : memref<256x32xf32, #tpu.memory_space<hbm>>) target_semaphore(%run_scoped3A_526 : memref<!tpu.dma_semaphore, #tpu.memory_space<semaphore_mem>>)
        %dma_wait3A_539 = arith.constant 0 : i32
        %dma_wait3A_540 = arith.constant 0 : i32
        %dma_wait3A_541 = tpu.memref_slice %arg6[%run_scoped3A_327, %dma_wait3A_539, %dma_wait3A_540] : memref<13x256x32xf32, #tpu.memory_space<vmem>> -> memref<1x256x32xf32, #tpu.memory_space<vmem>>
        %dma_wait3A_542 = tpu.memref_squeeze %dma_wait3A_541 : memref<1x256x32xf32, #tpu.memory_space<vmem>> -> memref<256x32xf32, #tpu.memory_space<vmem>>
        %dma_wait3A_543 = arith.constant 0 : i32
        %dma_wait3A_544 = tpu.memref_slice %arg4[%add3A_326, %dma_wait3A_543] : memref<425984x32xf32, #tpu.memory_space<hbm>> -> memref<256x32xf32, #tpu.memory_space<hbm>>
        %dma_wait3A_545 = arith.constant 0 : i32
        %dma_wait3A_546 = tpu.memref_slice %arg4[%add3A_326, %dma_wait3A_545] : memref<425984x32xf32, #tpu.memory_space<hbm>> -> memref<256x32xf32, #tpu.memory_space<hbm>>
        %dma_wait3A_547 = arith.constant 0 : i32
        %dma_wait3A_548 = arith.constant 0 : i32
        %dma_wait3A_549 = tpu.memref_slice %arg6[%run_scoped3A_327, %dma_wait3A_547, %dma_wait3A_548] : memref<13x256x32xf32, #tpu.memory_space<vmem>> -> memref<1x256x32xf32, #tpu.memory_space<vmem>>
        %dma_wait3A_550 = tpu.memref_squeeze %dma_wait3A_549 : memref<1x256x32xf32, #tpu.memory_space<vmem>> -> memref<256x32xf32, #tpu.memory_space<vmem>>
        tpu.wait_dma2 semaphore(%run_scoped3A_526 : memref<!tpu.dma_semaphore, #tpu.memory_space<semaphore_mem>>) src(%dma_wait3A_550 : memref<256x32xf32, #tpu.memory_space<vmem>>) dst(%dma_wait3A_546 : memref<256x32xf32, #tpu.memory_space<hbm>>)
        tpu.yield
      }) : () -> ()
      %mul3A_328 = arith.constant 13 : i32
      %mul3A_329 = arith.muli %scan3A_8, %mul3A_328 : i32
      %add3A_330 = arith.constant 4 : i32
      %add3A_331 = arith.addi %mul3A_329, %add3A_330 : i32
      %dma_wait3A_332 = arith.constant 4 : i32
      %dma_wait3A_333 = arith.constant 4 : i32
      %dma_wait3A_334 = arith.constant 0 : i32
      %dma_wait3A_335 = arith.constant 0 : i32
      %dma_wait3A_336 = tpu.memref_slice %arg6[%dma_wait3A_332, %dma_wait3A_334, %dma_wait3A_335] : memref<13x256x32xf32, #tpu.memory_space<vmem>> -> memref<1x256x32xf32, #tpu.memory_space<vmem>>
      %dma_wait3A_337 = tpu.memref_squeeze %dma_wait3A_336 : memref<1x256x32xf32, #tpu.memory_space<vmem>> -> memref<256x32xf32, #tpu.memory_space<vmem>>
      %dma_wait3A_338 = arith.constant 0 : i32
      %dma_wait3A_339 = tpu.memref_slice %arg5[%add3A_83, %dma_wait3A_338] : memref<52x256xi32, #tpu.memory_space<vmem>> -> memref<1x256xi32, #tpu.memory_space<vmem>>
      %dma_wait3A_340 = tpu.memref_squeeze %dma_wait3A_339 : memref<1x256xi32, #tpu.memory_space<vmem>> -> memref<256xi32, #tpu.memory_space<vmem>>
      %dma_wait3A_341 = arith.constant 0 : i32
      %dma_wait3A_342 = arith.constant 0 : i32
      %dma_wait3A_343 = tpu.memref_slice %arg3[%dma_wait3A_341, %dma_wait3A_342] : memref<1000000x32xf32, #tpu.memory_space<hbm>> -> memref<1000000x32xf32, #tpu.memory_space<hbm>>
      %dma_wait3A_344 = tpu.memref_slice %arg7[%dma_wait3A_333] : memref<13x!tpu.dma_semaphore, #tpu.memory_space<semaphore_mem>> -> memref<1x!tpu.dma_semaphore, #tpu.memory_space<semaphore_mem>>
      %dma_wait3A_345 = tpu.memref_squeeze %dma_wait3A_344 : memref<1x!tpu.dma_semaphore, #tpu.memory_space<semaphore_mem>> -> memref<!tpu.dma_semaphore, #tpu.memory_space<semaphore_mem>>
      tpu.wait_indirect_dma semaphore(%dma_wait3A_345 : memref<!tpu.dma_semaphore, #tpu.memory_space<semaphore_mem>>) src(%dma_wait3A_343 : memref<1000000x32xf32, #tpu.memory_space<hbm>>) dst(%dma_wait3A_337 : memref<256x32xf32, #tpu.memory_space<vmem>>)
      %mul3A_346 = arith.constant 256 : i32
      %mul3A_347 = arith.muli %add3A_331, %mul3A_346 : i32
      %add3A_348 = arith.addi %mul3A_2, %mul3A_347 : i32
      %run_scoped3A_349 = arith.constant 4 : i32
      "tpu.region"() ({
        %run_scoped3A_526 = tpu.sem_alloc : memref<!tpu.dma_semaphore, #tpu.memory_space<semaphore_mem>>
        %dma_start3A_527 = arith.constant 0 : i32
        %dma_start3A_528 = arith.constant 0 : i32
        %dma_start3A_529 = tpu.memref_slice %arg6[%run_scoped3A_349, %dma_start3A_527, %dma_start3A_528] : memref<13x256x32xf32, #tpu.memory_space<vmem>> -> memref<1x256x32xf32, #tpu.memory_space<vmem>>
        %dma_start3A_530 = tpu.memref_squeeze %dma_start3A_529 : memref<1x256x32xf32, #tpu.memory_space<vmem>> -> memref<256x32xf32, #tpu.memory_space<vmem>>
        %dma_start3A_531 = arith.constant 0 : i32
        %dma_start3A_532 = tpu.memref_slice %arg4[%add3A_348, %dma_start3A_531] : memref<425984x32xf32, #tpu.memory_space<hbm>> -> memref<256x32xf32, #tpu.memory_space<hbm>>
        %dma_start3A_533 = arith.constant 0 : i32
        %dma_start3A_534 = tpu.memref_slice %arg4[%add3A_348, %dma_start3A_533] : memref<425984x32xf32, #tpu.memory_space<hbm>> -> memref<256x32xf32, #tpu.memory_space<hbm>>
        %dma_start3A_535 = arith.constant 0 : i32
        %dma_start3A_536 = arith.constant 0 : i32
        %dma_start3A_537 = tpu.memref_slice %arg6[%run_scoped3A_349, %dma_start3A_535, %dma_start3A_536] : memref<13x256x32xf32, #tpu.memory_space<vmem>> -> memref<1x256x32xf32, #tpu.memory_space<vmem>>
        %dma_start3A_538 = tpu.memref_squeeze %dma_start3A_537 : memref<1x256x32xf32, #tpu.memory_space<vmem>> -> memref<256x32xf32, #tpu.memory_space<vmem>>
        tpu.enqueue_dma source(%dma_start3A_538 : memref<256x32xf32, #tpu.memory_space<vmem>>) target(%dma_start3A_534 : memref<256x32xf32, #tpu.memory_space<hbm>>) target_semaphore(%run_scoped3A_526 : memref<!tpu.dma_semaphore, #tpu.memory_space<semaphore_mem>>)
        %dma_wait3A_539 = arith.constant 0 : i32
        %dma_wait3A_540 = arith.constant 0 : i32
        %dma_wait3A_541 = tpu.memref_slice %arg6[%run_scoped3A_349, %dma_wait3A_539, %dma_wait3A_540] : memref<13x256x32xf32, #tpu.memory_space<vmem>> -> memref<1x256x32xf32, #tpu.memory_space<vmem>>
        %dma_wait3A_542 = tpu.memref_squeeze %dma_wait3A_541 : memref<1x256x32xf32, #tpu.memory_space<vmem>> -> memref<256x32xf32, #tpu.memory_space<vmem>>
        %dma_wait3A_543 = arith.constant 0 : i32
        %dma_wait3A_544 = tpu.memref_slice %arg4[%add3A_348, %dma_wait3A_543] : memref<425984x32xf32, #tpu.memory_space<hbm>> -> memref<256x32xf32, #tpu.memory_space<hbm>>
        %dma_wait3A_545 = arith.constant 0 : i32
        %dma_wait3A_546 = tpu.memref_slice %arg4[%add3A_348, %dma_wait3A_545] : memref<425984x32xf32, #tpu.memory_space<hbm>> -> memref<256x32xf32, #tpu.memory_space<hbm>>
        %dma_wait3A_547 = arith.constant 0 : i32
        %dma_wait3A_548 = arith.constant 0 : i32
        %dma_wait3A_549 = tpu.memref_slice %arg6[%run_scoped3A_349, %dma_wait3A_547, %dma_wait3A_548] : memref<13x256x32xf32, #tpu.memory_space<vmem>> -> memref<1x256x32xf32, #tpu.memory_space<vmem>>
        %dma_wait3A_550 = tpu.memref_squeeze %dma_wait3A_549 : memref<1x256x32xf32, #tpu.memory_space<vmem>> -> memref<256x32xf32, #tpu.memory_space<vmem>>
        tpu.wait_dma2 semaphore(%run_scoped3A_526 : memref<!tpu.dma_semaphore, #tpu.memory_space<semaphore_mem>>) src(%dma_wait3A_550 : memref<256x32xf32, #tpu.memory_space<vmem>>) dst(%dma_wait3A_546 : memref<256x32xf32, #tpu.memory_space<hbm>>)
        tpu.yield
      }) : () -> ()
      %mul3A_350 = arith.constant 13 : i32
      %mul3A_351 = arith.muli %scan3A_8, %mul3A_350 : i32
      %add3A_352 = arith.constant 5 : i32
      %add3A_353 = arith.addi %mul3A_351, %add3A_352 : i32
      %dma_wait3A_354 = arith.constant 5 : i32
      %dma_wait3A_355 = arith.constant 5 : i32
      %dma_wait3A_356 = arith.constant 0 : i32
      %dma_wait3A_357 = arith.constant 0 : i32
      %dma_wait3A_358 = tpu.memref_slice %arg6[%dma_wait3A_354, %dma_wait3A_356, %dma_wait3A_357] : memref<13x256x32xf32, #tpu.memory_space<vmem>> -> memref<1x256x32xf32, #tpu.memory_space<vmem>>
      %dma_wait3A_359 = tpu.memref_squeeze %dma_wait3A_358 : memref<1x256x32xf32, #tpu.memory_space<vmem>> -> memref<256x32xf32, #tpu.memory_space<vmem>>
      %dma_wait3A_360 = arith.constant 0 : i32
      %dma_wait3A_361 = tpu.memref_slice %arg5[%add3A_101, %dma_wait3A_360] : memref<52x256xi32, #tpu.memory_space<vmem>> -> memref<1x256xi32, #tpu.memory_space<vmem>>
      %dma_wait3A_362 = tpu.memref_squeeze %dma_wait3A_361 : memref<1x256xi32, #tpu.memory_space<vmem>> -> memref<256xi32, #tpu.memory_space<vmem>>
      %dma_wait3A_363 = arith.constant 0 : i32
      %dma_wait3A_364 = arith.constant 0 : i32
      %dma_wait3A_365 = tpu.memref_slice %arg3[%dma_wait3A_363, %dma_wait3A_364] : memref<1000000x32xf32, #tpu.memory_space<hbm>> -> memref<1000000x32xf32, #tpu.memory_space<hbm>>
      %dma_wait3A_366 = tpu.memref_slice %arg7[%dma_wait3A_355] : memref<13x!tpu.dma_semaphore, #tpu.memory_space<semaphore_mem>> -> memref<1x!tpu.dma_semaphore, #tpu.memory_space<semaphore_mem>>
      %dma_wait3A_367 = tpu.memref_squeeze %dma_wait3A_366 : memref<1x!tpu.dma_semaphore, #tpu.memory_space<semaphore_mem>> -> memref<!tpu.dma_semaphore, #tpu.memory_space<semaphore_mem>>
      tpu.wait_indirect_dma semaphore(%dma_wait3A_367 : memref<!tpu.dma_semaphore, #tpu.memory_space<semaphore_mem>>) src(%dma_wait3A_365 : memref<1000000x32xf32, #tpu.memory_space<hbm>>) dst(%dma_wait3A_359 : memref<256x32xf32, #tpu.memory_space<vmem>>)
      %mul3A_368 = arith.constant 256 : i32
      %mul3A_369 = arith.muli %add3A_353, %mul3A_368 : i32
      %add3A_370 = arith.addi %mul3A_2, %mul3A_369 : i32
      %run_scoped3A_371 = arith.constant 5 : i32
      "tpu.region"() ({
        %run_scoped3A_526 = tpu.sem_alloc : memref<!tpu.dma_semaphore, #tpu.memory_space<semaphore_mem>>
        %dma_start3A_527 = arith.constant 0 : i32
        %dma_start3A_528 = arith.constant 0 : i32
        %dma_start3A_529 = tpu.memref_slice %arg6[%run_scoped3A_371, %dma_start3A_527, %dma_start3A_528] : memref<13x256x32xf32, #tpu.memory_space<vmem>> -> memref<1x256x32xf32, #tpu.memory_space<vmem>>
        %dma_start3A_530 = tpu.memref_squeeze %dma_start3A_529 : memref<1x256x32xf32, #tpu.memory_space<vmem>> -> memref<256x32xf32, #tpu.memory_space<vmem>>
        %dma_start3A_531 = arith.constant 0 : i32
        %dma_start3A_532 = tpu.memref_slice %arg4[%add3A_370, %dma_start3A_531] : memref<425984x32xf32, #tpu.memory_space<hbm>> -> memref<256x32xf32, #tpu.memory_space<hbm>>
        %dma_start3A_533 = arith.constant 0 : i32
        %dma_start3A_534 = tpu.memref_slice %arg4[%add3A_370, %dma_start3A_533] : memref<425984x32xf32, #tpu.memory_space<hbm>> -> memref<256x32xf32, #tpu.memory_space<hbm>>
        %dma_start3A_535 = arith.constant 0 : i32
        %dma_start3A_536 = arith.constant 0 : i32
        %dma_start3A_537 = tpu.memref_slice %arg6[%run_scoped3A_371, %dma_start3A_535, %dma_start3A_536] : memref<13x256x32xf32, #tpu.memory_space<vmem>> -> memref<1x256x32xf32, #tpu.memory_space<vmem>>
        %dma_start3A_538 = tpu.memref_squeeze %dma_start3A_537 : memref<1x256x32xf32, #tpu.memory_space<vmem>> -> memref<256x32xf32, #tpu.memory_space<vmem>>
        tpu.enqueue_dma source(%dma_start3A_538 : memref<256x32xf32, #tpu.memory_space<vmem>>) target(%dma_start3A_534 : memref<256x32xf32, #tpu.memory_space<hbm>>) target_semaphore(%run_scoped3A_526 : memref<!tpu.dma_semaphore, #tpu.memory_space<semaphore_mem>>)
        %dma_wait3A_539 = arith.constant 0 : i32
        %dma_wait3A_540 = arith.constant 0 : i32
        %dma_wait3A_541 = tpu.memref_slice %arg6[%run_scoped3A_371, %dma_wait3A_539, %dma_wait3A_540] : memref<13x256x32xf32, #tpu.memory_space<vmem>> -> memref<1x256x32xf32, #tpu.memory_space<vmem>>
        %dma_wait3A_542 = tpu.memref_squeeze %dma_wait3A_541 : memref<1x256x32xf32, #tpu.memory_space<vmem>> -> memref<256x32xf32, #tpu.memory_space<vmem>>
        %dma_wait3A_543 = arith.constant 0 : i32
        %dma_wait3A_544 = tpu.memref_slice %arg4[%add3A_370, %dma_wait3A_543] : memref<425984x32xf32, #tpu.memory_space<hbm>> -> memref<256x32xf32, #tpu.memory_space<hbm>>
        %dma_wait3A_545 = arith.constant 0 : i32
        %dma_wait3A_546 = tpu.memref_slice %arg4[%add3A_370, %dma_wait3A_545] : memref<425984x32xf32, #tpu.memory_space<hbm>> -> memref<256x32xf32, #tpu.memory_space<hbm>>
        %dma_wait3A_547 = arith.constant 0 : i32
        %dma_wait3A_548 = arith.constant 0 : i32
        %dma_wait3A_549 = tpu.memref_slice %arg6[%run_scoped3A_371, %dma_wait3A_547, %dma_wait3A_548] : memref<13x256x32xf32, #tpu.memory_space<vmem>> -> memref<1x256x32xf32, #tpu.memory_space<vmem>>
        %dma_wait3A_550 = tpu.memref_squeeze %dma_wait3A_549 : memref<1x256x32xf32, #tpu.memory_space<vmem>> -> memref<256x32xf32, #tpu.memory_space<vmem>>
        tpu.wait_dma2 semaphore(%run_scoped3A_526 : memref<!tpu.dma_semaphore, #tpu.memory_space<semaphore_mem>>) src(%dma_wait3A_550 : memref<256x32xf32, #tpu.memory_space<vmem>>) dst(%dma_wait3A_546 : memref<256x32xf32, #tpu.memory_space<hbm>>)
        tpu.yield
      }) : () -> ()
      %mul3A_372 = arith.constant 13 : i32
      %mul3A_373 = arith.muli %scan3A_8, %mul3A_372 : i32
      %add3A_374 = arith.constant 6 : i32
      %add3A_375 = arith.addi %mul3A_373, %add3A_374 : i32
      %dma_wait3A_376 = arith.constant 6 : i32
      %dma_wait3A_377 = arith.constant 6 : i32
      %dma_wait3A_378 = arith.constant 0 : i32
      %dma_wait3A_379 = arith.constant 0 : i32
      %dma_wait3A_380 = tpu.memref_slice %arg6[%dma_wait3A_376, %dma_wait3A_378, %dma_wait3A_379] : memref<13x256x32xf32, #tpu.memory_space<vmem>> -> memref<1x256x32xf32, #tpu.memory_space<vmem>>
      %dma_wait3A_381 = tpu.memref_squeeze %dma_wait3A_380 : memref<1x256x32xf32, #tpu.memory_space<vmem>> -> memref<256x32xf32, #tpu.memory_space<vmem>>
      %dma_wait3A_382 = arith.constant 0 : i32
      %dma_wait3A_383 = tpu.memref_slice %arg5[%add3A_119, %dma_wait3A_382] : memref<52x256xi32, #tpu.memory_space<vmem>> -> memref<1x256xi32, #tpu.memory_space<vmem>>
      %dma_wait3A_384 = tpu.memref_squeeze %dma_wait3A_383 : memref<1x256xi32, #tpu.memory_space<vmem>> -> memref<256xi32, #tpu.memory_space<vmem>>
      %dma_wait3A_385 = arith.constant 0 : i32
      %dma_wait3A_386 = arith.constant 0 : i32
      %dma_wait3A_387 = tpu.memref_slice %arg3[%dma_wait3A_385, %dma_wait3A_386] : memref<1000000x32xf32, #tpu.memory_space<hbm>> -> memref<1000000x32xf32, #tpu.memory_space<hbm>>
      %dma_wait3A_388 = tpu.memref_slice %arg7[%dma_wait3A_377] : memref<13x!tpu.dma_semaphore, #tpu.memory_space<semaphore_mem>> -> memref<1x!tpu.dma_semaphore, #tpu.memory_space<semaphore_mem>>
      %dma_wait3A_389 = tpu.memref_squeeze %dma_wait3A_388 : memref<1x!tpu.dma_semaphore, #tpu.memory_space<semaphore_mem>> -> memref<!tpu.dma_semaphore, #tpu.memory_space<semaphore_mem>>
      tpu.wait_indirect_dma semaphore(%dma_wait3A_389 : memref<!tpu.dma_semaphore, #tpu.memory_space<semaphore_mem>>) src(%dma_wait3A_387 : memref<1000000x32xf32, #tpu.memory_space<hbm>>) dst(%dma_wait3A_381 : memref<256x32xf32, #tpu.memory_space<vmem>>)
      %mul3A_390 = arith.constant 256 : i32
      %mul3A_391 = arith.muli %add3A_375, %mul3A_390 : i32
      %add3A_392 = arith.addi %mul3A_2, %mul3A_391 : i32
      %run_scoped3A_393 = arith.constant 6 : i32
      "tpu.region"() ({
        %run_scoped3A_526 = tpu.sem_alloc : memref<!tpu.dma_semaphore, #tpu.memory_space<semaphore_mem>>
        %dma_start3A_527 = arith.constant 0 : i32
        %dma_start3A_528 = arith.constant 0 : i32
        %dma_start3A_529 = tpu.memref_slice %arg6[%run_scoped3A_393, %dma_start3A_527, %dma_start3A_528] : memref<13x256x32xf32, #tpu.memory_space<vmem>> -> memref<1x256x32xf32, #tpu.memory_space<vmem>>
        %dma_start3A_530 = tpu.memref_squeeze %dma_start3A_529 : memref<1x256x32xf32, #tpu.memory_space<vmem>> -> memref<256x32xf32, #tpu.memory_space<vmem>>
        %dma_start3A_531 = arith.constant 0 : i32
        %dma_start3A_532 = tpu.memref_slice %arg4[%add3A_392, %dma_start3A_531] : memref<425984x32xf32, #tpu.memory_space<hbm>> -> memref<256x32xf32, #tpu.memory_space<hbm>>
        %dma_start3A_533 = arith.constant 0 : i32
        %dma_start3A_534 = tpu.memref_slice %arg4[%add3A_392, %dma_start3A_533] : memref<425984x32xf32, #tpu.memory_space<hbm>> -> memref<256x32xf32, #tpu.memory_space<hbm>>
        %dma_start3A_535 = arith.constant 0 : i32
        %dma_start3A_536 = arith.constant 0 : i32
        %dma_start3A_537 = tpu.memref_slice %arg6[%run_scoped3A_393, %dma_start3A_535, %dma_start3A_536] : memref<13x256x32xf32, #tpu.memory_space<vmem>> -> memref<1x256x32xf32, #tpu.memory_space<vmem>>
        %dma_start3A_538 = tpu.memref_squeeze %dma_start3A_537 : memref<1x256x32xf32, #tpu.memory_space<vmem>> -> memref<256x32xf32, #tpu.memory_space<vmem>>
        tpu.enqueue_dma source(%dma_start3A_538 : memref<256x32xf32, #tpu.memory_space<vmem>>) target(%dma_start3A_534 : memref<256x32xf32, #tpu.memory_space<hbm>>) target_semaphore(%run_scoped3A_526 : memref<!tpu.dma_semaphore, #tpu.memory_space<semaphore_mem>>)
        %dma_wait3A_539 = arith.constant 0 : i32
        %dma_wait3A_540 = arith.constant 0 : i32
        %dma_wait3A_541 = tpu.memref_slice %arg6[%run_scoped3A_393, %dma_wait3A_539, %dma_wait3A_540] : memref<13x256x32xf32, #tpu.memory_space<vmem>> -> memref<1x256x32xf32, #tpu.memory_space<vmem>>
        %dma_wait3A_542 = tpu.memref_squeeze %dma_wait3A_541 : memref<1x256x32xf32, #tpu.memory_space<vmem>> -> memref<256x32xf32, #tpu.memory_space<vmem>>
        %dma_wait3A_543 = arith.constant 0 : i32
        %dma_wait3A_544 = tpu.memref_slice %arg4[%add3A_392, %dma_wait3A_543] : memref<425984x32xf32, #tpu.memory_space<hbm>> -> memref<256x32xf32, #tpu.memory_space<hbm>>
        %dma_wait3A_545 = arith.constant 0 : i32
        %dma_wait3A_546 = tpu.memref_slice %arg4[%add3A_392, %dma_wait3A_545] : memref<425984x32xf32, #tpu.memory_space<hbm>> -> memref<256x32xf32, #tpu.memory_space<hbm>>
        %dma_wait3A_547 = arith.constant 0 : i32
        %dma_wait3A_548 = arith.constant 0 : i32
        %dma_wait3A_549 = tpu.memref_slice %arg6[%run_scoped3A_393, %dma_wait3A_547, %dma_wait3A_548] : memref<13x256x32xf32, #tpu.memory_space<vmem>> -> memref<1x256x32xf32, #tpu.memory_space<vmem>>
        %dma_wait3A_550 = tpu.memref_squeeze %dma_wait3A_549 : memref<1x256x32xf32, #tpu.memory_space<vmem>> -> memref<256x32xf32, #tpu.memory_space<vmem>>
        tpu.wait_dma2 semaphore(%run_scoped3A_526 : memref<!tpu.dma_semaphore, #tpu.memory_space<semaphore_mem>>) src(%dma_wait3A_550 : memref<256x32xf32, #tpu.memory_space<vmem>>) dst(%dma_wait3A_546 : memref<256x32xf32, #tpu.memory_space<hbm>>)
        tpu.yield
      }) : () -> ()
      %mul3A_394 = arith.constant 13 : i32
      %mul3A_395 = arith.muli %scan3A_8, %mul3A_394 : i32
      %add3A_396 = arith.constant 7 : i32
      %add3A_397 = arith.addi %mul3A_395, %add3A_396 : i32
      %dma_wait3A_398 = arith.constant 7 : i32
      %dma_wait3A_399 = arith.constant 7 : i32
      %dma_wait3A_400 = arith.constant 0 : i32
      %dma_wait3A_401 = arith.constant 0 : i32
      %dma_wait3A_402 = tpu.memref_slice %arg6[%dma_wait3A_398, %dma_wait3A_400, %dma_wait3A_401] : memref<13x256x32xf32, #tpu.memory_space<vmem>> -> memref<1x256x32xf32, #tpu.memory_space<vmem>>
      %dma_wait3A_403 = tpu.memref_squeeze %dma_wait3A_402 : memref<1x256x32xf32, #tpu.memory_space<vmem>> -> memref<256x32xf32, #tpu.memory_space<vmem>>
      %dma_wait3A_404 = arith.constant 0 : i32
      %dma_wait3A_405 = tpu.memref_slice %arg5[%add3A_137, %dma_wait3A_404] : memref<52x256xi32, #tpu.memory_space<vmem>> -> memref<1x256xi32, #tpu.memory_space<vmem>>
      %dma_wait3A_406 = tpu.memref_squeeze %dma_wait3A_405 : memref<1x256xi32, #tpu.memory_space<vmem>> -> memref<256xi32, #tpu.memory_space<vmem>>
      %dma_wait3A_407 = arith.constant 0 : i32
      %dma_wait3A_408 = arith.constant 0 : i32
      %dma_wait3A_409 = tpu.memref_slice %arg3[%dma_wait3A_407, %dma_wait3A_408] : memref<1000000x32xf32, #tpu.memory_space<hbm>> -> memref<1000000x32xf32, #tpu.memory_space<hbm>>
      %dma_wait3A_410 = tpu.memref_slice %arg7[%dma_wait3A_399] : memref<13x!tpu.dma_semaphore, #tpu.memory_space<semaphore_mem>> -> memref<1x!tpu.dma_semaphore, #tpu.memory_space<semaphore_mem>>
      %dma_wait3A_411 = tpu.memref_squeeze %dma_wait3A_410 : memref<1x!tpu.dma_semaphore, #tpu.memory_space<semaphore_mem>> -> memref<!tpu.dma_semaphore, #tpu.memory_space<semaphore_mem>>
      tpu.wait_indirect_dma semaphore(%dma_wait3A_411 : memref<!tpu.dma_semaphore, #tpu.memory_space<semaphore_mem>>) src(%dma_wait3A_409 : memref<1000000x32xf32, #tpu.memory_space<hbm>>) dst(%dma_wait3A_403 : memref<256x32xf32, #tpu.memory_space<vmem>>)
      %mul3A_412 = arith.constant 256 : i32
      %mul3A_413 = arith.muli %add3A_397, %mul3A_412 : i32
      %add3A_414 = arith.addi %mul3A_2, %mul3A_413 : i32
      %run_scoped3A_415 = arith.constant 7 : i32
      "tpu.region"() ({
        %run_scoped3A_526 = tpu.sem_alloc : memref<!tpu.dma_semaphore, #tpu.memory_space<semaphore_mem>>
        %dma_start3A_527 = arith.constant 0 : i32
        %dma_start3A_528 = arith.constant 0 : i32
        %dma_start3A_529 = tpu.memref_slice %arg6[%run_scoped3A_415, %dma_start3A_527, %dma_start3A_528] : memref<13x256x32xf32, #tpu.memory_space<vmem>> -> memref<1x256x32xf32, #tpu.memory_space<vmem>>
        %dma_start3A_530 = tpu.memref_squeeze %dma_start3A_529 : memref<1x256x32xf32, #tpu.memory_space<vmem>> -> memref<256x32xf32, #tpu.memory_space<vmem>>
        %dma_start3A_531 = arith.constant 0 : i32
        %dma_start3A_532 = tpu.memref_slice %arg4[%add3A_414, %dma_start3A_531] : memref<425984x32xf32, #tpu.memory_space<hbm>> -> memref<256x32xf32, #tpu.memory_space<hbm>>
        %dma_start3A_533 = arith.constant 0 : i32
        %dma_start3A_534 = tpu.memref_slice %arg4[%add3A_414, %dma_start3A_533] : memref<425984x32xf32, #tpu.memory_space<hbm>> -> memref<256x32xf32, #tpu.memory_space<hbm>>
        %dma_start3A_535 = arith.constant 0 : i32
        %dma_start3A_536 = arith.constant 0 : i32
        %dma_start3A_537 = tpu.memref_slice %arg6[%run_scoped3A_415, %dma_start3A_535, %dma_start3A_536] : memref<13x256x32xf32, #tpu.memory_space<vmem>> -> memref<1x256x32xf32, #tpu.memory_space<vmem>>
        %dma_start3A_538 = tpu.memref_squeeze %dma_start3A_537 : memref<1x256x32xf32, #tpu.memory_space<vmem>> -> memref<256x32xf32, #tpu.memory_space<vmem>>
        tpu.enqueue_dma source(%dma_start3A_538 : memref<256x32xf32, #tpu.memory_space<vmem>>) target(%dma_start3A_534 : memref<256x32xf32, #tpu.memory_space<hbm>>) target_semaphore(%run_scoped3A_526 : memref<!tpu.dma_semaphore, #tpu.memory_space<semaphore_mem>>)
        %dma_wait3A_539 = arith.constant 0 : i32
        %dma_wait3A_540 = arith.constant 0 : i32
        %dma_wait3A_541 = tpu.memref_slice %arg6[%run_scoped3A_415, %dma_wait3A_539, %dma_wait3A_540] : memref<13x256x32xf32, #tpu.memory_space<vmem>> -> memref<1x256x32xf32, #tpu.memory_space<vmem>>
        %dma_wait3A_542 = tpu.memref_squeeze %dma_wait3A_541 : memref<1x256x32xf32, #tpu.memory_space<vmem>> -> memref<256x32xf32, #tpu.memory_space<vmem>>
        %dma_wait3A_543 = arith.constant 0 : i32
        %dma_wait3A_544 = tpu.memref_slice %arg4[%add3A_414, %dma_wait3A_543] : memref<425984x32xf32, #tpu.memory_space<hbm>> -> memref<256x32xf32, #tpu.memory_space<hbm>>
        %dma_wait3A_545 = arith.constant 0 : i32
        %dma_wait3A_546 = tpu.memref_slice %arg4[%add3A_414, %dma_wait3A_545] : memref<425984x32xf32, #tpu.memory_space<hbm>> -> memref<256x32xf32, #tpu.memory_space<hbm>>
        %dma_wait3A_547 = arith.constant 0 : i32
        %dma_wait3A_548 = arith.constant 0 : i32
        %dma_wait3A_549 = tpu.memref_slice %arg6[%run_scoped3A_415, %dma_wait3A_547, %dma_wait3A_548] : memref<13x256x32xf32, #tpu.memory_space<vmem>> -> memref<1x256x32xf32, #tpu.memory_space<vmem>>
        %dma_wait3A_550 = tpu.memref_squeeze %dma_wait3A_549 : memref<1x256x32xf32, #tpu.memory_space<vmem>> -> memref<256x32xf32, #tpu.memory_space<vmem>>
        tpu.wait_dma2 semaphore(%run_scoped3A_526 : memref<!tpu.dma_semaphore, #tpu.memory_space<semaphore_mem>>) src(%dma_wait3A_550 : memref<256x32xf32, #tpu.memory_space<vmem>>) dst(%dma_wait3A_546 : memref<256x32xf32, #tpu.memory_space<hbm>>)
        tpu.yield
      }) : () -> ()
      %mul3A_416 = arith.constant 13 : i32
      %mul3A_417 = arith.muli %scan3A_8, %mul3A_416 : i32
      %add3A_418 = arith.constant 8 : i32
      %add3A_419 = arith.addi %mul3A_417, %add3A_418 : i32
      %dma_wait3A_420 = arith.constant 8 : i32
      %dma_wait3A_421 = arith.constant 8 : i32
      %dma_wait3A_422 = arith.constant 0 : i32
      %dma_wait3A_423 = arith.constant 0 : i32
      %dma_wait3A_424 = tpu.memref_slice %arg6[%dma_wait3A_420, %dma_wait3A_422, %dma_wait3A_423] : memref<13x256x32xf32, #tpu.memory_space<vmem>> -> memref<1x256x32xf32, #tpu.memory_space<vmem>>
      %dma_wait3A_425 = tpu.memref_squeeze %dma_wait3A_424 : memref<1x256x32xf32, #tpu.memory_space<vmem>> -> memref<256x32xf32, #tpu.memory_space<vmem>>
      %dma_wait3A_426 = arith.constant 0 : i32
      %dma_wait3A_427 = tpu.memref_slice %arg5[%add3A_155, %dma_wait3A_426] : memref<52x256xi32, #tpu.memory_space<vmem>> -> memref<1x256xi32, #tpu.memory_space<vmem>>
      %dma_wait3A_428 = tpu.memref_squeeze %dma_wait3A_427 : memref<1x256xi32, #tpu.memory_space<vmem>> -> memref<256xi32, #tpu.memory_space<vmem>>
      %dma_wait3A_429 = arith.constant 0 : i32
      %dma_wait3A_430 = arith.constant 0 : i32
      %dma_wait3A_431 = tpu.memref_slice %arg3[%dma_wait3A_429, %dma_wait3A_430] : memref<1000000x32xf32, #tpu.memory_space<hbm>> -> memref<1000000x32xf32, #tpu.memory_space<hbm>>
      %dma_wait3A_432 = tpu.memref_slice %arg7[%dma_wait3A_421] : memref<13x!tpu.dma_semaphore, #tpu.memory_space<semaphore_mem>> -> memref<1x!tpu.dma_semaphore, #tpu.memory_space<semaphore_mem>>
      %dma_wait3A_433 = tpu.memref_squeeze %dma_wait3A_432 : memref<1x!tpu.dma_semaphore, #tpu.memory_space<semaphore_mem>> -> memref<!tpu.dma_semaphore, #tpu.memory_space<semaphore_mem>>
      tpu.wait_indirect_dma semaphore(%dma_wait3A_433 : memref<!tpu.dma_semaphore, #tpu.memory_space<semaphore_mem>>) src(%dma_wait3A_431 : memref<1000000x32xf32, #tpu.memory_space<hbm>>) dst(%dma_wait3A_425 : memref<256x32xf32, #tpu.memory_space<vmem>>)
      %mul3A_434 = arith.constant 256 : i32
      %mul3A_435 = arith.muli %add3A_419, %mul3A_434 : i32
      %add3A_436 = arith.addi %mul3A_2, %mul3A_435 : i32
      %run_scoped3A_437 = arith.constant 8 : i32
      "tpu.region"() ({
        %run_scoped3A_526 = tpu.sem_alloc : memref<!tpu.dma_semaphore, #tpu.memory_space<semaphore_mem>>
        %dma_start3A_527 = arith.constant 0 : i32
        %dma_start3A_528 = arith.constant 0 : i32
        %dma_start3A_529 = tpu.memref_slice %arg6[%run_scoped3A_437, %dma_start3A_527, %dma_start3A_528] : memref<13x256x32xf32, #tpu.memory_space<vmem>> -> memref<1x256x32xf32, #tpu.memory_space<vmem>>
        %dma_start3A_530 = tpu.memref_squeeze %dma_start3A_529 : memref<1x256x32xf32, #tpu.memory_space<vmem>> -> memref<256x32xf32, #tpu.memory_space<vmem>>
        %dma_start3A_531 = arith.constant 0 : i32
        %dma_start3A_532 = tpu.memref_slice %arg4[%add3A_436, %dma_start3A_531] : memref<425984x32xf32, #tpu.memory_space<hbm>> -> memref<256x32xf32, #tpu.memory_space<hbm>>
        %dma_start3A_533 = arith.constant 0 : i32
        %dma_start3A_534 = tpu.memref_slice %arg4[%add3A_436, %dma_start3A_533] : memref<425984x32xf32, #tpu.memory_space<hbm>> -> memref<256x32xf32, #tpu.memory_space<hbm>>
        %dma_start3A_535 = arith.constant 0 : i32
        %dma_start3A_536 = arith.constant 0 : i32
        %dma_start3A_537 = tpu.memref_slice %arg6[%run_scoped3A_437, %dma_start3A_535, %dma_start3A_536] : memref<13x256x32xf32, #tpu.memory_space<vmem>> -> memref<1x256x32xf32, #tpu.memory_space<vmem>>
        %dma_start3A_538 = tpu.memref_squeeze %dma_start3A_537 : memref<1x256x32xf32, #tpu.memory_space<vmem>> -> memref<256x32xf32, #tpu.memory_space<vmem>>
        tpu.enqueue_dma source(%dma_start3A_538 : memref<256x32xf32, #tpu.memory_space<vmem>>) target(%dma_start3A_534 : memref<256x32xf32, #tpu.memory_space<hbm>>) target_semaphore(%run_scoped3A_526 : memref<!tpu.dma_semaphore, #tpu.memory_space<semaphore_mem>>)
        %dma_wait3A_539 = arith.constant 0 : i32
        %dma_wait3A_540 = arith.constant 0 : i32
        %dma_wait3A_541 = tpu.memref_slice %arg6[%run_scoped3A_437, %dma_wait3A_539, %dma_wait3A_540] : memref<13x256x32xf32, #tpu.memory_space<vmem>> -> memref<1x256x32xf32, #tpu.memory_space<vmem>>
        %dma_wait3A_542 = tpu.memref_squeeze %dma_wait3A_541 : memref<1x256x32xf32, #tpu.memory_space<vmem>> -> memref<256x32xf32, #tpu.memory_space<vmem>>
        %dma_wait3A_543 = arith.constant 0 : i32
        %dma_wait3A_544 = tpu.memref_slice %arg4[%add3A_436, %dma_wait3A_543] : memref<425984x32xf32, #tpu.memory_space<hbm>> -> memref<256x32xf32, #tpu.memory_space<hbm>>
        %dma_wait3A_545 = arith.constant 0 : i32
        %dma_wait3A_546 = tpu.memref_slice %arg4[%add3A_436, %dma_wait3A_545] : memref<425984x32xf32, #tpu.memory_space<hbm>> -> memref<256x32xf32, #tpu.memory_space<hbm>>
        %dma_wait3A_547 = arith.constant 0 : i32
        %dma_wait3A_548 = arith.constant 0 : i32
        %dma_wait3A_549 = tpu.memref_slice %arg6[%run_scoped3A_437, %dma_wait3A_547, %dma_wait3A_548] : memref<13x256x32xf32, #tpu.memory_space<vmem>> -> memref<1x256x32xf32, #tpu.memory_space<vmem>>
        %dma_wait3A_550 = tpu.memref_squeeze %dma_wait3A_549 : memref<1x256x32xf32, #tpu.memory_space<vmem>> -> memref<256x32xf32, #tpu.memory_space<vmem>>
        tpu.wait_dma2 semaphore(%run_scoped3A_526 : memref<!tpu.dma_semaphore, #tpu.memory_space<semaphore_mem>>) src(%dma_wait3A_550 : memref<256x32xf32, #tpu.memory_space<vmem>>) dst(%dma_wait3A_546 : memref<256x32xf32, #tpu.memory_space<hbm>>)
        tpu.yield
      }) : () -> ()
      %mul3A_438 = arith.constant 13 : i32
      %mul3A_439 = arith.muli %scan3A_8, %mul3A_438 : i32
      %add3A_440 = arith.constant 9 : i32
      %add3A_441 = arith.addi %mul3A_439, %add3A_440 : i32
      %dma_wait3A_442 = arith.constant 9 : i32
      %dma_wait3A_443 = arith.constant 9 : i32
      %dma_wait3A_444 = arith.constant 0 : i32
      %dma_wait3A_445 = arith.constant 0 : i32
      %dma_wait3A_446 = tpu.memref_slice %arg6[%dma_wait3A_442, %dma_wait3A_444, %dma_wait3A_445] : memref<13x256x32xf32, #tpu.memory_space<vmem>> -> memref<1x256x32xf32, #tpu.memory_space<vmem>>
      %dma_wait3A_447 = tpu.memref_squeeze %dma_wait3A_446 : memref<1x256x32xf32, #tpu.memory_space<vmem>> -> memref<256x32xf32, #tpu.memory_space<vmem>>
      %dma_wait3A_448 = arith.constant 0 : i32
      %dma_wait3A_449 = tpu.memref_slice %arg5[%add3A_173, %dma_wait3A_448] : memref<52x256xi32, #tpu.memory_space<vmem>> -> memref<1x256xi32, #tpu.memory_space<vmem>>
      %dma_wait3A_450 = tpu.memref_squeeze %dma_wait3A_449 : memref<1x256xi32, #tpu.memory_space<vmem>> -> memref<256xi32, #tpu.memory_space<vmem>>
      %dma_wait3A_451 = arith.constant 0 : i32
      %dma_wait3A_452 = arith.constant 0 : i32
      %dma_wait3A_453 = tpu.memref_slice %arg3[%dma_wait3A_451, %dma_wait3A_452] : memref<1000000x32xf32, #tpu.memory_space<hbm>> -> memref<1000000x32xf32, #tpu.memory_space<hbm>>
      %dma_wait3A_454 = tpu.memref_slice %arg7[%dma_wait3A_443] : memref<13x!tpu.dma_semaphore, #tpu.memory_space<semaphore_mem>> -> memref<1x!tpu.dma_semaphore, #tpu.memory_space<semaphore_mem>>
      %dma_wait3A_455 = tpu.memref_squeeze %dma_wait3A_454 : memref<1x!tpu.dma_semaphore, #tpu.memory_space<semaphore_mem>> -> memref<!tpu.dma_semaphore, #tpu.memory_space<semaphore_mem>>
      tpu.wait_indirect_dma semaphore(%dma_wait3A_455 : memref<!tpu.dma_semaphore, #tpu.memory_space<semaphore_mem>>) src(%dma_wait3A_453 : memref<1000000x32xf32, #tpu.memory_space<hbm>>) dst(%dma_wait3A_447 : memref<256x32xf32, #tpu.memory_space<vmem>>)
      %mul3A_456 = arith.constant 256 : i32
      %mul3A_457 = arith.muli %add3A_441, %mul3A_456 : i32
      %add3A_458 = arith.addi %mul3A_2, %mul3A_457 : i32
      %run_scoped3A_459 = arith.constant 9 : i32
      "tpu.region"() ({
        %run_scoped3A_526 = tpu.sem_alloc : memref<!tpu.dma_semaphore, #tpu.memory_space<semaphore_mem>>
        %dma_start3A_527 = arith.constant 0 : i32
        %dma_start3A_528 = arith.constant 0 : i32
        %dma_start3A_529 = tpu.memref_slice %arg6[%run_scoped3A_459, %dma_start3A_527, %dma_start3A_528] : memref<13x256x32xf32, #tpu.memory_space<vmem>> -> memref<1x256x32xf32, #tpu.memory_space<vmem>>
        %dma_start3A_530 = tpu.memref_squeeze %dma_start3A_529 : memref<1x256x32xf32, #tpu.memory_space<vmem>> -> memref<256x32xf32, #tpu.memory_space<vmem>>
        %dma_start3A_531 = arith.constant 0 : i32
        %dma_start3A_532 = tpu.memref_slice %arg4[%add3A_458, %dma_start3A_531] : memref<425984x32xf32, #tpu.memory_space<hbm>> -> memref<256x32xf32, #tpu.memory_space<hbm>>
        %dma_start3A_533 = arith.constant 0 : i32
        %dma_start3A_534 = tpu.memref_slice %arg4[%add3A_458, %dma_start3A_533] : memref<425984x32xf32, #tpu.memory_space<hbm>> -> memref<256x32xf32, #tpu.memory_space<hbm>>
        %dma_start3A_535 = arith.constant 0 : i32
        %dma_start3A_536 = arith.constant 0 : i32
        %dma_start3A_537 = tpu.memref_slice %arg6[%run_scoped3A_459, %dma_start3A_535, %dma_start3A_536] : memref<13x256x32xf32, #tpu.memory_space<vmem>> -> memref<1x256x32xf32, #tpu.memory_space<vmem>>
        %dma_start3A_538 = tpu.memref_squeeze %dma_start3A_537 : memref<1x256x32xf32, #tpu.memory_space<vmem>> -> memref<256x32xf32, #tpu.memory_space<vmem>>
        tpu.enqueue_dma source(%dma_start3A_538 : memref<256x32xf32, #tpu.memory_space<vmem>>) target(%dma_start3A_534 : memref<256x32xf32, #tpu.memory_space<hbm>>) target_semaphore(%run_scoped3A_526 : memref<!tpu.dma_semaphore, #tpu.memory_space<semaphore_mem>>)
        %dma_wait3A_539 = arith.constant 0 : i32
        %dma_wait3A_540 = arith.constant 0 : i32
        %dma_wait3A_541 = tpu.memref_slice %arg6[%run_scoped3A_459, %dma_wait3A_539, %dma_wait3A_540] : memref<13x256x32xf32, #tpu.memory_space<vmem>> -> memref<1x256x32xf32, #tpu.memory_space<vmem>>
        %dma_wait3A_542 = tpu.memref_squeeze %dma_wait3A_541 : memref<1x256x32xf32, #tpu.memory_space<vmem>> -> memref<256x32xf32, #tpu.memory_space<vmem>>
        %dma_wait3A_543 = arith.constant 0 : i32
        %dma_wait3A_544 = tpu.memref_slice %arg4[%add3A_458, %dma_wait3A_543] : memref<425984x32xf32, #tpu.memory_space<hbm>> -> memref<256x32xf32, #tpu.memory_space<hbm>>
        %dma_wait3A_545 = arith.constant 0 : i32
        %dma_wait3A_546 = tpu.memref_slice %arg4[%add3A_458, %dma_wait3A_545] : memref<425984x32xf32, #tpu.memory_space<hbm>> -> memref<256x32xf32, #tpu.memory_space<hbm>>
        %dma_wait3A_547 = arith.constant 0 : i32
        %dma_wait3A_548 = arith.constant 0 : i32
        %dma_wait3A_549 = tpu.memref_slice %arg6[%run_scoped3A_459, %dma_wait3A_547, %dma_wait3A_548] : memref<13x256x32xf32, #tpu.memory_space<vmem>> -> memref<1x256x32xf32, #tpu.memory_space<vmem>>
        %dma_wait3A_550 = tpu.memref_squeeze %dma_wait3A_549 : memref<1x256x32xf32, #tpu.memory_space<vmem>> -> memref<256x32xf32, #tpu.memory_space<vmem>>
        tpu.wait_dma2 semaphore(%run_scoped3A_526 : memref<!tpu.dma_semaphore, #tpu.memory_space<semaphore_mem>>) src(%dma_wait3A_550 : memref<256x32xf32, #tpu.memory_space<vmem>>) dst(%dma_wait3A_546 : memref<256x32xf32, #tpu.memory_space<hbm>>)
        tpu.yield
      }) : () -> ()
      %mul3A_460 = arith.constant 13 : i32
      %mul3A_461 = arith.muli %scan3A_8, %mul3A_460 : i32
      %add3A_462 = arith.constant 10 : i32
      %add3A_463 = arith.addi %mul3A_461, %add3A_462 : i32
      %dma_wait3A_464 = arith.constant 10 : i32
      %dma_wait3A_465 = arith.constant 10 : i32
      %dma_wait3A_466 = arith.constant 0 : i32
      %dma_wait3A_467 = arith.constant 0 : i32
      %dma_wait3A_468 = tpu.memref_slice %arg6[%dma_wait3A_464, %dma_wait3A_466, %dma_wait3A_467] : memref<13x256x32xf32, #tpu.memory_space<vmem>> -> memref<1x256x32xf32, #tpu.memory_space<vmem>>
      %dma_wait3A_469 = tpu.memref_squeeze %dma_wait3A_468 : memref<1x256x32xf32, #tpu.memory_space<vmem>> -> memref<256x32xf32, #tpu.memory_space<vmem>>
      %dma_wait3A_470 = arith.constant 0 : i32
      %dma_wait3A_471 = tpu.memref_slice %arg5[%add3A_191, %dma_wait3A_470] : memref<52x256xi32, #tpu.memory_space<vmem>> -> memref<1x256xi32, #tpu.memory_space<vmem>>
      %dma_wait3A_472 = tpu.memref_squeeze %dma_wait3A_471 : memref<1x256xi32, #tpu.memory_space<vmem>> -> memref<256xi32, #tpu.memory_space<vmem>>
      %dma_wait3A_473 = arith.constant 0 : i32
      %dma_wait3A_474 = arith.constant 0 : i32
      %dma_wait3A_475 = tpu.memref_slice %arg3[%dma_wait3A_473, %dma_wait3A_474] : memref<1000000x32xf32, #tpu.memory_space<hbm>> -> memref<1000000x32xf32, #tpu.memory_space<hbm>>
      %dma_wait3A_476 = tpu.memref_slice %arg7[%dma_wait3A_465] : memref<13x!tpu.dma_semaphore, #tpu.memory_space<semaphore_mem>> -> memref<1x!tpu.dma_semaphore, #tpu.memory_space<semaphore_mem>>
      %dma_wait3A_477 = tpu.memref_squeeze %dma_wait3A_476 : memref<1x!tpu.dma_semaphore, #tpu.memory_space<semaphore_mem>> -> memref<!tpu.dma_semaphore, #tpu.memory_space<semaphore_mem>>
      tpu.wait_indirect_dma semaphore(%dma_wait3A_477 : memref<!tpu.dma_semaphore, #tpu.memory_space<semaphore_mem>>) src(%dma_wait3A_475 : memref<1000000x32xf32, #tpu.memory_space<hbm>>) dst(%dma_wait3A_469 : memref<256x32xf32, #tpu.memory_space<vmem>>)
      %mul3A_478 = arith.constant 256 : i32
      %mul3A_479 = arith.muli %add3A_463, %mul3A_478 : i32
      %add3A_480 = arith.addi %mul3A_2, %mul3A_479 : i32
      %run_scoped3A_481 = arith.constant 10 : i32
      "tpu.region"() ({
        %run_scoped3A_526 = tpu.sem_alloc : memref<!tpu.dma_semaphore, #tpu.memory_space<semaphore_mem>>
        %dma_start3A_527 = arith.constant 0 : i32
        %dma_start3A_528 = arith.constant 0 : i32
        %dma_start3A_529 = tpu.memref_slice %arg6[%run_scoped3A_481, %dma_start3A_527, %dma_start3A_528] : memref<13x256x32xf32, #tpu.memory_space<vmem>> -> memref<1x256x32xf32, #tpu.memory_space<vmem>>
        %dma_start3A_530 = tpu.memref_squeeze %dma_start3A_529 : memref<1x256x32xf32, #tpu.memory_space<vmem>> -> memref<256x32xf32, #tpu.memory_space<vmem>>
        %dma_start3A_531 = arith.constant 0 : i32
        %dma_start3A_532 = tpu.memref_slice %arg4[%add3A_480, %dma_start3A_531] : memref<425984x32xf32, #tpu.memory_space<hbm>> -> memref<256x32xf32, #tpu.memory_space<hbm>>
        %dma_start3A_533 = arith.constant 0 : i32
        %dma_start3A_534 = tpu.memref_slice %arg4[%add3A_480, %dma_start3A_533] : memref<425984x32xf32, #tpu.memory_space<hbm>> -> memref<256x32xf32, #tpu.memory_space<hbm>>
        %dma_start3A_535 = arith.constant 0 : i32
        %dma_start3A_536 = arith.constant 0 : i32
        %dma_start3A_537 = tpu.memref_slice %arg6[%run_scoped3A_481, %dma_start3A_535, %dma_start3A_536] : memref<13x256x32xf32, #tpu.memory_space<vmem>> -> memref<1x256x32xf32, #tpu.memory_space<vmem>>
        %dma_start3A_538 = tpu.memref_squeeze %dma_start3A_537 : memref<1x256x32xf32, #tpu.memory_space<vmem>> -> memref<256x32xf32, #tpu.memory_space<vmem>>
        tpu.enqueue_dma source(%dma_start3A_538 : memref<256x32xf32, #tpu.memory_space<vmem>>) target(%dma_start3A_534 : memref<256x32xf32, #tpu.memory_space<hbm>>) target_semaphore(%run_scoped3A_526 : memref<!tpu.dma_semaphore, #tpu.memory_space<semaphore_mem>>)
        %dma_wait3A_539 = arith.constant 0 : i32
        %dma_wait3A_540 = arith.constant 0 : i32
        %dma_wait3A_541 = tpu.memref_slice %arg6[%run_scoped3A_481, %dma_wait3A_539, %dma_wait3A_540] : memref<13x256x32xf32, #tpu.memory_space<vmem>> -> memref<1x256x32xf32, #tpu.memory_space<vmem>>
        %dma_wait3A_542 = tpu.memref_squeeze %dma_wait3A_541 : memref<1x256x32xf32, #tpu.memory_space<vmem>> -> memref<256x32xf32, #tpu.memory_space<vmem>>
        %dma_wait3A_543 = arith.constant 0 : i32
        %dma_wait3A_544 = tpu.memref_slice %arg4[%add3A_480, %dma_wait3A_543] : memref<425984x32xf32, #tpu.memory_space<hbm>> -> memref<256x32xf32, #tpu.memory_space<hbm>>
        %dma_wait3A_545 = arith.constant 0 : i32
        %dma_wait3A_546 = tpu.memref_slice %arg4[%add3A_480, %dma_wait3A_545] : memref<425984x32xf32, #tpu.memory_space<hbm>> -> memref<256x32xf32, #tpu.memory_space<hbm>>
        %dma_wait3A_547 = arith.constant 0 : i32
        %dma_wait3A_548 = arith.constant 0 : i32
        %dma_wait3A_549 = tpu.memref_slice %arg6[%run_scoped3A_481, %dma_wait3A_547, %dma_wait3A_548] : memref<13x256x32xf32, #tpu.memory_space<vmem>> -> memref<1x256x32xf32, #tpu.memory_space<vmem>>
        %dma_wait3A_550 = tpu.memref_squeeze %dma_wait3A_549 : memref<1x256x32xf32, #tpu.memory_space<vmem>> -> memref<256x32xf32, #tpu.memory_space<vmem>>
        tpu.wait_dma2 semaphore(%run_scoped3A_526 : memref<!tpu.dma_semaphore, #tpu.memory_space<semaphore_mem>>) src(%dma_wait3A_550 : memref<256x32xf32, #tpu.memory_space<vmem>>) dst(%dma_wait3A_546 : memref<256x32xf32, #tpu.memory_space<hbm>>)
        tpu.yield
      }) : () -> ()
      %mul3A_482 = arith.constant 13 : i32
      %mul3A_483 = arith.muli %scan3A_8, %mul3A_482 : i32
      %add3A_484 = arith.constant 11 : i32
      %add3A_485 = arith.addi %mul3A_483, %add3A_484 : i32
      %dma_wait3A_486 = arith.constant 11 : i32
      %dma_wait3A_487 = arith.constant 11 : i32
      %dma_wait3A_488 = arith.constant 0 : i32
      %dma_wait3A_489 = arith.constant 0 : i32
      %dma_wait3A_490 = tpu.memref_slice %arg6[%dma_wait3A_486, %dma_wait3A_488, %dma_wait3A_489] : memref<13x256x32xf32, #tpu.memory_space<vmem>> -> memref<1x256x32xf32, #tpu.memory_space<vmem>>
      %dma_wait3A_491 = tpu.memref_squeeze %dma_wait3A_490 : memref<1x256x32xf32, #tpu.memory_space<vmem>> -> memref<256x32xf32, #tpu.memory_space<vmem>>
      %dma_wait3A_492 = arith.constant 0 : i32
      %dma_wait3A_493 = tpu.memref_slice %arg5[%add3A_209, %dma_wait3A_492] : memref<52x256xi32, #tpu.memory_space<vmem>> -> memref<1x256xi32, #tpu.memory_space<vmem>>
      %dma_wait3A_494 = tpu.memref_squeeze %dma_wait3A_493 : memref<1x256xi32, #tpu.memory_space<vmem>> -> memref<256xi32, #tpu.memory_space<vmem>>
      %dma_wait3A_495 = arith.constant 0 : i32
      %dma_wait3A_496 = arith.constant 0 : i32
      %dma_wait3A_497 = tpu.memref_slice %arg3[%dma_wait3A_495, %dma_wait3A_496] : memref<1000000x32xf32, #tpu.memory_space<hbm>> -> memref<1000000x32xf32, #tpu.memory_space<hbm>>
      %dma_wait3A_498 = tpu.memref_slice %arg7[%dma_wait3A_487] : memref<13x!tpu.dma_semaphore, #tpu.memory_space<semaphore_mem>> -> memref<1x!tpu.dma_semaphore, #tpu.memory_space<semaphore_mem>>
      %dma_wait3A_499 = tpu.memref_squeeze %dma_wait3A_498 : memref<1x!tpu.dma_semaphore, #tpu.memory_space<semaphore_mem>> -> memref<!tpu.dma_semaphore, #tpu.memory_space<semaphore_mem>>
      tpu.wait_indirect_dma semaphore(%dma_wait3A_499 : memref<!tpu.dma_semaphore, #tpu.memory_space<semaphore_mem>>) src(%dma_wait3A_497 : memref<1000000x32xf32, #tpu.memory_space<hbm>>) dst(%dma_wait3A_491 : memref<256x32xf32, #tpu.memory_space<vmem>>)
      %mul3A_500 = arith.constant 256 : i32
      %mul3A_501 = arith.muli %add3A_485, %mul3A_500 : i32
      %add3A_502 = arith.addi %mul3A_2, %mul3A_501 : i32
      %run_scoped3A_503 = arith.constant 11 : i32
      "tpu.region"() ({
        %run_scoped3A_526 = tpu.sem_alloc : memref<!tpu.dma_semaphore, #tpu.memory_space<semaphore_mem>>
        %dma_start3A_527 = arith.constant 0 : i32
        %dma_start3A_528 = arith.constant 0 : i32
        %dma_start3A_529 = tpu.memref_slice %arg6[%run_scoped3A_503, %dma_start3A_527, %dma_start3A_528] : memref<13x256x32xf32, #tpu.memory_space<vmem>> -> memref<1x256x32xf32, #tpu.memory_space<vmem>>
        %dma_start3A_530 = tpu.memref_squeeze %dma_start3A_529 : memref<1x256x32xf32, #tpu.memory_space<vmem>> -> memref<256x32xf32, #tpu.memory_space<vmem>>
        %dma_start3A_531 = arith.constant 0 : i32
        %dma_start3A_532 = tpu.memref_slice %arg4[%add3A_502, %dma_start3A_531] : memref<425984x32xf32, #tpu.memory_space<hbm>> -> memref<256x32xf32, #tpu.memory_space<hbm>>
        %dma_start3A_533 = arith.constant 0 : i32
        %dma_start3A_534 = tpu.memref_slice %arg4[%add3A_502, %dma_start3A_533] : memref<425984x32xf32, #tpu.memory_space<hbm>> -> memref<256x32xf32, #tpu.memory_space<hbm>>
        %dma_start3A_535 = arith.constant 0 : i32
        %dma_start3A_536 = arith.constant 0 : i32
        %dma_start3A_537 = tpu.memref_slice %arg6[%run_scoped3A_503, %dma_start3A_535, %dma_start3A_536] : memref<13x256x32xf32, #tpu.memory_space<vmem>> -> memref<1x256x32xf32, #tpu.memory_space<vmem>>
        %dma_start3A_538 = tpu.memref_squeeze %dma_start3A_537 : memref<1x256x32xf32, #tpu.memory_space<vmem>> -> memref<256x32xf32, #tpu.memory_space<vmem>>
        tpu.enqueue_dma source(%dma_start3A_538 : memref<256x32xf32, #tpu.memory_space<vmem>>) target(%dma_start3A_534 : memref<256x32xf32, #tpu.memory_space<hbm>>) target_semaphore(%run_scoped3A_526 : memref<!tpu.dma_semaphore, #tpu.memory_space<semaphore_mem>>)
        %dma_wait3A_539 = arith.constant 0 : i32
        %dma_wait3A_540 = arith.constant 0 : i32
        %dma_wait3A_541 = tpu.memref_slice %arg6[%run_scoped3A_503, %dma_wait3A_539, %dma_wait3A_540] : memref<13x256x32xf32, #tpu.memory_space<vmem>> -> memref<1x256x32xf32, #tpu.memory_space<vmem>>
        %dma_wait3A_542 = tpu.memref_squeeze %dma_wait3A_541 : memref<1x256x32xf32, #tpu.memory_space<vmem>> -> memref<256x32xf32, #tpu.memory_space<vmem>>
        %dma_wait3A_543 = arith.constant 0 : i32
        %dma_wait3A_544 = tpu.memref_slice %arg4[%add3A_502, %dma_wait3A_543] : memref<425984x32xf32, #tpu.memory_space<hbm>> -> memref<256x32xf32, #tpu.memory_space<hbm>>
        %dma_wait3A_545 = arith.constant 0 : i32
        %dma_wait3A_546 = tpu.memref_slice %arg4[%add3A_502, %dma_wait3A_545] : memref<425984x32xf32, #tpu.memory_space<hbm>> -> memref<256x32xf32, #tpu.memory_space<hbm>>
        %dma_wait3A_547 = arith.constant 0 : i32
        %dma_wait3A_548 = arith.constant 0 : i32
        %dma_wait3A_549 = tpu.memref_slice %arg6[%run_scoped3A_503, %dma_wait3A_547, %dma_wait3A_548] : memref<13x256x32xf32, #tpu.memory_space<vmem>> -> memref<1x256x32xf32, #tpu.memory_space<vmem>>
        %dma_wait3A_550 = tpu.memref_squeeze %dma_wait3A_549 : memref<1x256x32xf32, #tpu.memory_space<vmem>> -> memref<256x32xf32, #tpu.memory_space<vmem>>
        tpu.wait_dma2 semaphore(%run_scoped3A_526 : memref<!tpu.dma_semaphore, #tpu.memory_space<semaphore_mem>>) src(%dma_wait3A_550 : memref<256x32xf32, #tpu.memory_space<vmem>>) dst(%dma_wait3A_546 : memref<256x32xf32, #tpu.memory_space<hbm>>)
        tpu.yield
      }) : () -> ()
      %mul3A_504 = arith.constant 13 : i32
      %mul3A_505 = arith.muli %scan3A_8, %mul3A_504 : i32
      %add3A_506 = arith.constant 12 : i32
      %add3A_507 = arith.addi %mul3A_505, %add3A_506 : i32
      %dma_wait3A_508 = arith.constant 12 : i32
      %dma_wait3A_509 = arith.constant 12 : i32
      %dma_wait3A_510 = arith.constant 0 : i32
      %dma_wait3A_511 = arith.constant 0 : i32
      %dma_wait3A_512 = tpu.memref_slice %arg6[%dma_wait3A_508, %dma_wait3A_510, %dma_wait3A_511] : memref<13x256x32xf32, #tpu.memory_space<vmem>> -> memref<1x256x32xf32, #tpu.memory_space<vmem>>
      %dma_wait3A_513 = tpu.memref_squeeze %dma_wait3A_512 : memref<1x256x32xf32, #tpu.memory_space<vmem>> -> memref<256x32xf32, #tpu.memory_space<vmem>>
      %dma_wait3A_514 = arith.constant 0 : i32
      %dma_wait3A_515 = tpu.memref_slice %arg5[%add3A_227, %dma_wait3A_514] : memref<52x256xi32, #tpu.memory_space<vmem>> -> memref<1x256xi32, #tpu.memory_space<vmem>>
      %dma_wait3A_516 = tpu.memref_squeeze %dma_wait3A_515 : memref<1x256xi32, #tpu.memory_space<vmem>> -> memref<256xi32, #tpu.memory_space<vmem>>
      %dma_wait3A_517 = arith.constant 0 : i32
      %dma_wait3A_518 = arith.constant 0 : i32
      %dma_wait3A_519 = tpu.memref_slice %arg3[%dma_wait3A_517, %dma_wait3A_518] : memref<1000000x32xf32, #tpu.memory_space<hbm>> -> memref<1000000x32xf32, #tpu.memory_space<hbm>>
      %dma_wait3A_520 = tpu.memref_slice %arg7[%dma_wait3A_509] : memref<13x!tpu.dma_semaphore, #tpu.memory_space<semaphore_mem>> -> memref<1x!tpu.dma_semaphore, #tpu.memory_space<semaphore_mem>>
      %dma_wait3A_521 = tpu.memref_squeeze %dma_wait3A_520 : memref<1x!tpu.dma_semaphore, #tpu.memory_space<semaphore_mem>> -> memref<!tpu.dma_semaphore, #tpu.memory_space<semaphore_mem>>
      tpu.wait_indirect_dma semaphore(%dma_wait3A_521 : memref<!tpu.dma_semaphore, #tpu.memory_space<semaphore_mem>>) src(%dma_wait3A_519 : memref<1000000x32xf32, #tpu.memory_space<hbm>>) dst(%dma_wait3A_513 : memref<256x32xf32, #tpu.memory_space<vmem>>)
      %mul3A_522 = arith.constant 256 : i32
      %mul3A_523 = arith.muli %add3A_507, %mul3A_522 : i32
      %add3A_524 = arith.addi %mul3A_2, %mul3A_523 : i32
      %run_scoped3A_525 = arith.constant 12 : i32
      "tpu.region"() ({
        %run_scoped3A_526 = tpu.sem_alloc : memref<!tpu.dma_semaphore, #tpu.memory_space<semaphore_mem>>
        %dma_start3A_527 = arith.constant 0 : i32
        %dma_start3A_528 = arith.constant 0 : i32
        %dma_start3A_529 = tpu.memref_slice %arg6[%run_scoped3A_525, %dma_start3A_527, %dma_start3A_528] : memref<13x256x32xf32, #tpu.memory_space<vmem>> -> memref<1x256x32xf32, #tpu.memory_space<vmem>>
        %dma_start3A_530 = tpu.memref_squeeze %dma_start3A_529 : memref<1x256x32xf32, #tpu.memory_space<vmem>> -> memref<256x32xf32, #tpu.memory_space<vmem>>
        %dma_start3A_531 = arith.constant 0 : i32
        %dma_start3A_532 = tpu.memref_slice %arg4[%add3A_524, %dma_start3A_531] : memref<425984x32xf32, #tpu.memory_space<hbm>> -> memref<256x32xf32, #tpu.memory_space<hbm>>
        %dma_start3A_533 = arith.constant 0 : i32
        %dma_start3A_534 = tpu.memref_slice %arg4[%add3A_524, %dma_start3A_533] : memref<425984x32xf32, #tpu.memory_space<hbm>> -> memref<256x32xf32, #tpu.memory_space<hbm>>
        %dma_start3A_535 = arith.constant 0 : i32
        %dma_start3A_536 = arith.constant 0 : i32
        %dma_start3A_537 = tpu.memref_slice %arg6[%run_scoped3A_525, %dma_start3A_535, %dma_start3A_536] : memref<13x256x32xf32, #tpu.memory_space<vmem>> -> memref<1x256x32xf32, #tpu.memory_space<vmem>>
        %dma_start3A_538 = tpu.memref_squeeze %dma_start3A_537 : memref<1x256x32xf32, #tpu.memory_space<vmem>> -> memref<256x32xf32, #tpu.memory_space<vmem>>
        tpu.enqueue_dma source(%dma_start3A_538 : memref<256x32xf32, #tpu.memory_space<vmem>>) target(%dma_start3A_534 : memref<256x32xf32, #tpu.memory_space<hbm>>) target_semaphore(%run_scoped3A_526 : memref<!tpu.dma_semaphore, #tpu.memory_space<semaphore_mem>>)
        %dma_wait3A_539 = arith.constant 0 : i32
        %dma_wait3A_540 = arith.constant 0 : i32
        %dma_wait3A_541 = tpu.memref_slice %arg6[%run_scoped3A_525, %dma_wait3A_539, %dma_wait3A_540] : memref<13x256x32xf32, #tpu.memory_space<vmem>> -> memref<1x256x32xf32, #tpu.memory_space<vmem>>
        %dma_wait3A_542 = tpu.memref_squeeze %dma_wait3A_541 : memref<1x256x32xf32, #tpu.memory_space<vmem>> -> memref<256x32xf32, #tpu.memory_space<vmem>>
        %dma_wait3A_543 = arith.constant 0 : i32
        %dma_wait3A_544 = tpu.memref_slice %arg4[%add3A_524, %dma_wait3A_543] : memref<425984x32xf32, #tpu.memory_space<hbm>> -> memref<256x32xf32, #tpu.memory_space<hbm>>
        %dma_wait3A_545 = arith.constant 0 : i32
        %dma_wait3A_546 = tpu.memref_slice %arg4[%add3A_524, %dma_wait3A_545] : memref<425984x32xf32, #tpu.memory_space<hbm>> -> memref<256x32xf32, #tpu.memory_space<hbm>>
        %dma_wait3A_547 = arith.constant 0 : i32
        %dma_wait3A_548 = arith.constant 0 : i32
        %dma_wait3A_549 = tpu.memref_slice %arg6[%run_scoped3A_525, %dma_wait3A_547, %dma_wait3A_548] : memref<13x256x32xf32, #tpu.memory_space<vmem>> -> memref<1x256x32xf32, #tpu.memory_space<vmem>>
        %dma_wait3A_550 = tpu.memref_squeeze %dma_wait3A_549 : memref<1x256x32xf32, #tpu.memory_space<vmem>> -> memref<256x32xf32, #tpu.memory_space<vmem>>
        tpu.wait_dma2 semaphore(%run_scoped3A_526 : memref<!tpu.dma_semaphore, #tpu.memory_space<semaphore_mem>>) src(%dma_wait3A_550 : memref<256x32xf32, #tpu.memory_space<vmem>>) dst(%dma_wait3A_546 : memref<256x32xf32, #tpu.memory_space<hbm>>)
        tpu.yield
      }) : () -> ()
    }
    %scan3A_7 = arith.constant 4 : i32
    return
  }
}

</mosaic_0001>

<sc_bundles>
// kernel: kernel.3.cloned.1.call-start
scs
__scs_entry_jumppad:
0x0: {  	(pc) =	sbr.rel $0x88, $3  }
0x1: {  	(tag) =	ssettag $0x0;
	lr =	simm.s32 $0x1  }
0x2: {  	[smem:$0x3F9F] =	sst lr;
	_ =	strace $0xD0000000  }
0x3: {  	_ = 	snop  }
0x4: {  	_ = 	snop  }
0x5: {  	_ = 	snop  }
0x6: {  	_ = 	snop  }
0x7: {  	_ = 	snop  }
__scs_overlays_trampoline_lowered:
0x8: {  	[smem:$0x3FAE] =	sst s0  }
0x9: {  	[smem:$0x3FAF] =	sst s1  }
0xa: {  	[smem:$0x3FB0] =	sst s2  }
0xb: {  	[smem:$0x3FB1] =	sst s3  }
0xc: {  	[smem:$0x3FB2] =	sst s4  }
0xd: {  	[smem:$0x3FB3] =	sst s5  }
0xe: {  	[smem:$0x3FB4] =	sst s6  }
0xf: {  	[smem:$0x3FB5] =	sst s7  }
0x10: {  	[smem:$0x3FB6] =	sst s8  }
0x11: {  	[smem:$0x3FB7] =	sst s9;
	s0 =	simm.s32 @!p0 $0x0  }
0x12: {  	s1 =	sld [smem:$0x3F9D];
	s0 =	simm.s32 @p0 $0x1  }
0x13: {  	[smem:$0x3FB8] =	sst s0;
	s0 =	simm.s32 @!p1 $0x0  }
0x14: {  	s2 =	sld [smem:$0x3F9C];
	s0 =	simm.s32 @p1 $0x1  }
0x15: {  	[smem:$0x3FB9] =	sst s0;
	s0 =	simm.s32 @!p2 $0x0  }
0x16: {  	s3 =	sld [smem:$0x3FDB];
	s0 =	simm.s32 @p2 $0x1  }
0x17: {  	s4 =	simm.s32 $0x1BF5;
	[smem:$0x3FBB] =	sst s0  }
0x18: {  	s0 =	sld [smem:$0x3F9E];
	_ =	swait.ge [sflag:s4], $0x0  }
0x19: {  	s7 =	sld [smem:$0x3F9F]  }
0x1a: {  	s8 =	sadd.s32 $0xFFFFE003, lr  }
0x1b: {  	s9 =	sadd.s32 $0xFFFFFEF7, lr;
	s5 =	simm.s32 $0xFFFFFFFF;
	p2 =	slt.u32 s8, $0xFFFFF086  }
0x1c: {  	p1 =	slt.u32 s9, $0xF7A;
	s5 =	simm.s32 @!p2 $0x0  }
0x1d: {  	s5 =	simm.s32 @p1 $0x1;
	p0 =	seq.s32 s7, s2  }
0x1e: {  	s7 =	smul.u32 @!p0 $0xF7A, s2;
	p2 =	seq.s32 @!p0 s5, $0x0  }
0x1f: {  	s9 =	smul.u32 $0xF7A, s1;
	s8 =	simm.s32 @!p0 $0x1BF5;
	p2 =	por !p2, p0  }
0x20: {  	[sflag:s8] =	ssyncset.s32 @!p0 $0xFFFFF086;
	s6 =	sadd.s32 @!p0 s3, s7;
	s7 =	simm.s32 @!p0 $0x108  }
0x21: {  	s3 =	sadd.s32 s3, s9;
	s6 =	sadd.s32 @!p0 $0x88, s6;
	s7 =	simm.s32 @p2 $0x1082  }
0x22: {  	[simem:s7], [sflag:s8] =	dma.local @!p0 [hbm:s6], $0xF7A  }
0x23: {  	s9 =	sor.u32 $0xD0000000, s2;
	s6 =	simm.s32 $0x108;
	_ =	swait.ge @!p0 [sflag:s8], $0x0  }
0x24: {  	s3 =	sadd.s32 $0x88, s3;
	s6 =	simm.s32 @!p1 $0x1082;
	[sflag:s4] =	ssyncset.s32 $0xFFFFF086  }
0x25: {  	[simem:s6], [sflag:s4] =	dma.local [hbm:s3], $0xF7A  }
0x26: {  	[smem:$0x3F9F] =	sst s1;
	(tag) =	ssettag s2;
	_ =	strace s9  }
0x27: {  	s1 =	sld [smem:$0x3FAF]  }
0x28: {  	s2 =	sld [smem:$0x3FB0]  }
0x29: {  	s4 =	sld [smem:$0x3FB2]  }
0x2a: {  	p0 =	seq.s32 s5, $0x0;
	s5 =	sld [smem:$0x3FB3]  }
0x2b: {  	s6 =	sld [smem:$0x3FB4]  }
0x2c: {  	s7 =	sld [smem:$0x3FB5]  }
0x2d: {  	s3 =	simm.s32 $0x108;
	s8 =	sld [smem:$0x3FB6]  }
0x2e: {  	s3 =	simm.s32 @!p0 $0x1082;
	s9 =	sld [smem:$0x3FB7]  }
0x2f: {  	lr =	sadd.s32 s0, s3;
	s0 =	sld [smem:$0x3FAE]  }
0x30: {  	s3 =	sld [smem:$0x3FB1]  }
0x31: {  	[smem:$0x3FBA] =	sst s10  }
0x32: {  	s10 =	sld [smem:$0x3FB8];
	_ =	sdelay $0x3  }
0x33: {  	p0 =	seq.s32 s10, $0x1;
	s10 =	sld [smem:$0x3FBA];
	_ =	sdelay $0x3  }
0x34: {  	[smem:$0x3FBA] =	sst s10  }
0x35: {  	s10 =	sld [smem:$0x3FB9];
	_ =	sdelay $0x3  }
0x36: {  	p1 =	seq.s32 s10, $0x1;
	s10 =	sld [smem:$0x3FBA];
	_ =	sdelay $0x3  }
0x37: {  	[smem:$0x3FBA] =	sst s10  }
0x38: {  	s10 =	sld [smem:$0x3FBB]  }
0x39: {  	_ = 	snop;
	(pc) =	sbr.ind lr, $3  }
0x3a: {  	_ = 	snop  }
0x3b: {  	_ = 	snop  }
0x3c: {  	p2 =	seq.s32 s10, $0x1;
	s10 =	sld [smem:$0x3FBA]  }
0x3d: {  	_ =	shalt  }
0x3e: {  	_ =	shalt  }
0x3f: {  	_ =	shalt  }
0x40: {  	_ =	shalt  }
0x41: {  	_ =	shalt  }
0x42: {  	_ =	shalt  }
0x43: {  	_ =	shalt  }
0x44: {  	_ =	shalt  }
0x45: {  	_ =	shalt  }
0x46: {  	_ =	shalt  }
0x47: {  	_ =	shalt  }
0x48: {  	_ =	shalt  }
0x49: {  	_ =	shalt  }
0x4a: {  	_ =	shalt  }
0x4b: {  	_ =	shalt  }
0x4c: {  	_ =	shalt  }
0x4d: {  	_ =	shalt  }
0x4e: {  	_ =	shalt  }
0x4f: {  	_ =	shalt  }
0x50: {  	_ =	shalt  }
0x51: {  	_ =	shalt  }
0x52: {  	_ =	shalt  }
0x53: {  	_ =	shalt  }
0x54: {  	_ =	shalt  }
0x55: {  	_ =	shalt  }
0x56: {  	_ =	shalt  }
0x57: {  	_ =	shalt  }
0x58: {  	_ =	shalt  }
0x59: {  	_ =	shalt  }
0x5a: {  	_ =	shalt  }
0x5b: {  	_ =	shalt  }
0x5c: {  	_ =	shalt  }
0x5d: {  	_ =	shalt  }
0x5e: {  	_ =	shalt  }
0x5f: {  	_ =	shalt  }
0x60: {  	_ =	shalt  }
0x61: {  	_ =	shalt  }
0x62: {  	_ =	shalt  }
0x63: {  	_ =	shalt  }
0x64: {  	_ =	shalt  }
0x65: {  	_ =	shalt  }
0x66: {  	_ =	shalt  }
0x67: {  	_ =	shalt  }
0x68: {  	_ =	shalt  }
0x69: {  	_ =	shalt  }
0x6a: {  	_ =	shalt  }
0x6b: {  	_ =	shalt  }
0x6c: {  	_ =	shalt  }
0x6d: {  	_ =	shalt  }
0x6e: {  	_ =	shalt  }
0x6f: {  	_ =	shalt  }
0x70: {  	_ =	shalt  }
0x71: {  	_ =	shalt  }
0x72: {  	_ =	shalt  }
0x73: {  	_ =	shalt  }
0x74: {  	_ =	shalt  }
0x75: {  	_ =	shalt  }
0x76: {  	_ =	shalt  }
0x77: {  	_ =	shalt  }
0x78: {  	_ =	shalt  }
0x79: {  	_ =	shalt  }
0x7a: {  	_ =	shalt  }
0x7b: {  	_ =	shalt  }
0x7c: {  	_ =	shalt  }
0x7d: {  	_ =	shalt  }
0x7e: {  	_ =	shalt  }
0x7f: {  	_ =	shalt  }
0x80: {  	_ =	shalt  }
0x81: {  	_ =	shalt  }
0x82: {  	_ =	shalt  }
0x83: {  	_ =	shalt  }
0x84: {  	_ =	shalt  }
0x85: {  	_ =	shalt  }
0x86: {  	_ =	shalt  }
0x87: {  	_ =	shalt  }
.Lfunc_end0:
.L_simem_size_0:
called_computation.1_lowered:
.L_overlay_start_0:
0x88: {  	s2 =	sld [smem:$0x3FD9]  }
0x89: {  	s3 =	sld [smem:$0x3FFE];
	_ =	sdelay $0x1  }
0x8a: {  	s1 =	srdreg.scid  }
0x8b: {  	s0 =	sand.u32 $0x1, s1  }
0x8c: {  	s17 =	sshll.u32 s0, $0xA;
	s2 =	sadd.s32 s3, s2  }
0x8d: {  	s2 =	sadd.s32 s2, s17  }
0x8e: {  	[smem:$0x3FC6] =	sst s2  }
0x8f: {  	_ = 	snop  }
0x90: {  	s2 =	sld [smem:$0x3FD0];
	(tm) =	ssettm $0x1  }
0x91: {  	s18 =	sld [smem:$0x3FFB];
	_ =	sdelay $0x3  }
0x92: {  	_ =	strace s18  }
0x93: {  	s3 =	sld [smem:$0x3FFC];
	_ =	sdelay $0x3  }
0x94: {  	_ =	strace s3  }
0x95: {  	s3 =	sld [smem:$0x3FFD];
	_ =	sdelay $0x3  }
0x96: {  	_ =	strace s3  }
0x97: {  	_ =	strace $0x8FFFFFFF  }
0x98: {  	s19 =	sld [smem:$0x3FDB];
	_ =	sdelay $0x1  }
0x99: {  	s4 =	simm.s32 $_scs_section_size  }
0x9a: {  	s5 =	simm.s32 $_size__tile_overlayer_lowered;
	s6 =	simm.s32 $_tile_overlayer_lowered  }
0x9b: {  	s22 =	simm.s32 $0x1BFF;
	s21 =	sshll.u32 s6, $0x1;
	s3 =	sadd.s32 s4, s19  }
0x9c: {  	s7 =	simm.s32 $0x0;
	s20 =	sshll.u32 s5, $0x1;
	s5 =	sadd.s32 s21, s3  }
0x9d: {  	[timem:s7], [sflag:s22] =	dma.local [hbm:s5], s20  }
0x9e: {  	_ =	swait.ge [sflag:s22], s20  }
0x9f: {  	s4 =	ssub.s32 $0x0, s20;
	[sflag:s22] =	ssyncset.done $0x0  }
0xa0: {  	[sflag:s22] =	ssyncadd.s32 s4;
	_ =	sdelay $0x1  }
0xa1: {  	s23 =	simm.s32 $0x1B8B  }
0xa2: {  	_ =	swait.ge [sflag:s23], $0x1  }
0xa3: {  	[sflag:s23] =	ssyncset.done $0x0  }
0xa4: {  	s25 =	simm.s32 $0x1B8E;
	s24 =	sld [smem:$0x3FFE];
	[sflag:s23] =	ssyncadd.s32 $0xFFFFFFFF  }
0xa5: {  	s26 =	simm.s32 $execute0_lowered;
	[smem:$0x3FD2] =	sst s25  }
0xa6: {  	s5 =	sshll.u32 s26, $0x1;
	_ =	strace $0x80000046;
	[dreg:$0x1] =	wrdreg $0xFFFFFFFF  }
0xa7: {  	s28 =	simm.s32 $_size_execute0_lowered;
	s3 =	sadd.s32 s3, s5;
	[dreg:$0x0] =	wrdreg $0x0  }
0xa8: {  	s5 =	sshll.u32 s28, $0x1;
	[dreg:$0x2] =	wrdreg s3  }
0xa9: {  	[dreg:$0x3] =	wrdreg s5  }
0xaa: {  	[dreg:$0x4] =	wrdreg $0xC0  }
0xab: {  	_ =	task [dreg:s7], $0x5FFFF  }
0xac: {  	[dreg:$0x1] =	wrdreg $0xFFFFFFFF  }
0xad: {  	[dreg:$0x0] =	wrdreg $0x60  }
0xae: {  	[dreg:$0x2] =	wrdreg s24  }
0xaf: {  	[dreg:$0x3] =	wrdreg s2  }
0xb0: {  	[dreg:$0x4] =	wrdreg $0x9  }
0xb1: {  	_ =	task.clear_ibuf [dreg:s7], $0x5FFFF;
	_ =	strace $0x90000046  }
0xb2: {  	s29 =	simm.s32 $0x9;
	_ =	strace $0x80000048  }
0xb3: {  	_ =	swait.ge [sflag:s29], $0x1  }
0xb4: {  	[sflag:s29] =	ssyncadd.s32 $0xFFFFFFFF  }
0xb5: {  	_ =	strace $0x90000048  }
0xb6: {  	_ =	sfence  }
0xb7: {  	s30 =	sld [smem:$0x0];
	_ =	sdelay $0x2  }
0xb8: {  	s31 =	sshll.u32 s1, $0xD;
	s1 =	sshrl.u32 s1, $0x2  }
0xb9: {  	s3 =	sand.u32 $0x4000, s31;
	s1 =	sadd.s32 s1, s30  }
0xba: {  	s0 =	sor.u32 s3, s0;
	s1 =	sshll.u32 s1, $0x11  }
0xbb: {  	s0 =	sor.u32 s1, s0  }
0xbc: {  	s0 =	sadd.s32 $0x8F2B, s0  }
0xbd: {  	[sflag:s0] =	ssyncadd.remote.s32 $0x1  }
0xbe: {  	_ =	sfence.sel $0xFFFF  }
0xbf: {  	[dreg:$0x0] =	wrdreg $0xFFFFFFFF;
	(pc) =	sbr.abs _section_cstart, $3  }
0xc0: {  	[dreg:$0x1] =	wrdreg $0xFFFFFFFF  }
0xc1: {  	_ =	task.clear_ibuf [dreg:s7], $0x2FFFF;
	_ =	strace $0x9FFFFFFF  }
0xc2: {  	(tm) =	ssettm $0x7FFFFFFF  }
0xc3: {  	_ =	shalt  }
tec
execute0_lowered:
.L_overlay_start_1:
0x0: {  	(tag) =	ssettag $0x1  }
0x1: {  	s0 =	rddreg [dreg:$0x0]  }
0x2: {  	s1 =	rddreg [dreg:$0x1];
	s3 =	srdreg.scid  }
0x3: {  	s7 =	stileid.u32;
	s2 =	simm.s32 $0x0;
	s28 =	simm.s32 $0x7  }
0x4: {  	s29 =	simm.s32 $0x8;
	s30 =	simm.s32 $0x9;
	s16 =	smul.u32 $0x6800, s7  }
0x5: {  	s4 =	sand.u32 $0x1, s3;
	[smem:$0x7FF] =	sst s2;
	s6 =	smul.u32 $0x1A000, s7  }
0x6: {  	s7 =	sshll.u32 s7, $0x1;
	s5 =	smul.u32 $0x3400, s4;
	_ =	strace $0x80000047  }
0x7: {  	s8 =	smul.u32 $0xD000, s4;
	s17 =	sor.u32 s4, s7;
	s4 =	ssub.s32 $0x2, s4  }
0x8: {  	s6 =	sadd.s32 s6, s1;
	s22 =	sshrl.u32 s4, $0x1;
	s3 =	sadd.s32 s5, s16  }
0x9: {  	s6 =	sadd.s32 s8, s6;
	s4 =	ssub.s32 s4, s22;
	s3 =	sshll.u32 s3, $0x2  }
0xa: {  	[dreg:$0x3] =	wrdreg s6;
	s4 =	smax.u32 s4, $0x1;
	s1 =	sadd.s32 s3, s1  }
0xb: {  	s31 =	simm.s32 $0xA;
	[dreg:$0xe] =	wrdreg s4;
	s3 =	sadd.s32 $0x2C00, s1  }
0xc: {  	s7 =	simm.s32 $0x100;
	s18 =	sadd.s32 $0x2800, s1;
	[dreg:$0x4] =	wrdreg s3  }
0xd: {  	s5 =	smul.u32 $0x3400, s17;
	s19 =	sadd.s32 $0x2400, s1;
	[dreg:$0x5] =	wrdreg s18  }
0xe: {  	s8 =	simm.s32 $0x0;
	s20 =	sadd.s32 $0x1C00, s1;
	[dreg:$0x6] =	wrdreg s19  }
0xf: {  	s6 =	simm.s32 $0xE;
	s21 =	sadd.s32 $0x1800, s1;
	[dreg:$0x7] =	wrdreg s20  }
0x10: {  	s5 =	sshrl.u32 s5, $0x3;
	s23 =	sadd.s32 $0x1400, s1;
	[dreg:$0x8] =	wrdreg s21  }
0x11: {  	s4 =	simm.s32 $0xD;
	s24 =	sadd.s32 $0xC00, s1;
	[dreg:$0x9] =	wrdreg s23  }
0x12: {  	s5 =	sadd.s32 s5, s0;
	s25 =	sadd.s32 $0x800, s1;
	[dreg:$0xa] =	wrdreg s24  }
0x13: {  	s26 =	sadd.s32 $0x400, s1;
	s1 =	simm.s32 $0xC;
	[dreg:$0xb] =	wrdreg s25  }
0x14: {  	s3 =	sadd.s32 $0xF42E00, s0;
	s5 =	sadd.s32 $0xA00, s5;
	[dreg:$0xc] =	wrdreg s26  }
0x15: {  	s25 =	simm.s32 $0x5;
	s26 =	simm.s32 $0x6;
	s0 =	simm.s32 $0xB  }
0x16: {  	s23 =	simm.s32 $0x19400;
	s24 =	simm.s32 $0x1B400;
	[dreg:$0xd] =	wrdreg s5  }
.LBB2_1:
0x17: {  	[dreg:$0xf] =	wrdreg s8  }
0x18: {  	s5 =	rddreg [dreg:$0xd]  }
0x19: {  	[tilespmem:s2], [sflag:$0xE] =	stream.linear.gather [hbm4b:s5+s2], $0x3400, $0x38;
	[tilespmem:$0x1D400] =	vst v63  }
0x1a: {  	_ =	swait.ge [sflag:s6], $0x3400  }
0x1b: {  	[sflag:s6] =	ssyncset.done $0x0  }
0x1c: {  	s9 =	simm.s32 $0x0;
	s8 =	simm.s32 $0x3400;
	[sflag:s6] =	ssyncadd.s32 $0xFFFFCC00  }
0x1d: {  	[tilespmem:s8], [sflag:$0x1] =	stream.indirect.gather [hbm4b:s3+s7], $0x20, s9, s7, $0xb8;
	[tilespmem:$0x1D400] =	vst v63  }
0x1e: {  	s10 =	simm.s32 $0x100;
	s9 =	simm.s32 $0x5400  }
0x1f: {  	[tilespmem:s9], [sflag:$0x2] =	stream.indirect.gather [hbm4b:s3+s7], $0x20, s10, s7, $0xb8;
	[tilespmem:$0x1D400] =	vst v63  }
0x20: {  	s11 =	simm.s32 $0x200;
	s10 =	simm.s32 $0x7400  }
0x21: {  	[tilespmem:s10], [sflag:$0x3] =	stream.indirect.gather [hbm4b:s3+s7], $0x20, s11, s7, $0xb8;
	[tilespmem:$0x1D400] =	vst v63  }
0x22: {  	s12 =	simm.s32 $0x300;
	s11 =	simm.s32 $0x9400  }
0x23: {  	[tilespmem:s11], [sflag:$0x4] =	stream.indirect.gather [hbm4b:s3+s7], $0x20, s12, s7, $0xb8;
	[tilespmem:$0x1D400] =	vst v63  }
0x24: {  	s13 =	simm.s32 $0x400;
	s12 =	simm.s32 $0xB400  }
0x25: {  	[tilespmem:s12], [sflag:$0x5] =	stream.indirect.gather [hbm4b:s3+s7], $0x20, s13, s7, $0xb8;
	[tilespmem:$0x1D400] =	vst v63  }
0x26: {  	s14 =	simm.s32 $0x500;
	s13 =	simm.s32 $0xD400  }
0x27: {  	[tilespmem:s13], [sflag:$0x6] =	stream.indirect.gather [hbm4b:s3+s7], $0x20, s14, s7, $0xb8;
	[tilespmem:$0x1D400] =	vst v63  }
0x28: {  	s15 =	simm.s32 $0x600;
	s14 =	simm.s32 $0xF400  }
0x29: {  	[tilespmem:s14], [sflag:$0x7] =	stream.indirect.gather [hbm4b:s3+s7], $0x20, s15, s7, $0xb8;
	[tilespmem:$0x1D400] =	vst v63  }
0x2a: {  	s16 =	simm.s32 $0x700;
	s15 =	simm.s32 $0x11400  }
0x2b: {  	[tilespmem:s15], [sflag:$0x8] =	stream.indirect.gather [hbm4b:s3+s7], $0x20, s16, s7, $0xb8;
	[tilespmem:$0x1D400] =	vst v63  }
0x2c: {  	s17 =	simm.s32 $0x800;
	s16 =	simm.s32 $0x13400  }
0x2d: {  	[tilespmem:s16], [sflag:$0x9] =	stream.indirect.gather [hbm4b:s3+s7], $0x20, s17, s7, $0xb8;
	[tilespmem:$0x1D400] =	vst v63  }
0x2e: {  	s18 =	simm.s32 $0x900;
	s17 =	simm.s32 $0x15400  }
0x2f: {  	[tilespmem:s17], [sflag:$0xA] =	stream.indirect.gather [hbm4b:s3+s7], $0x20, s18, s7, $0xb8;
	[tilespmem:$0x1D400] =	vst v63  }
0x30: {  	s19 =	simm.s32 $0xA00;
	s18 =	simm.s32 $0x17400  }
0x31: {  	[tilespmem:s18], [sflag:$0xB] =	stream.indirect.gather [hbm4b:s3+s7], $0x20, s19, s7, $0xb8;
	[tilespmem:$0x1D400] =	vst v63  }
0x32: {  	s20 =	simm.s32 $0xB00;
	s19 =	simm.s32 $0x19400  }
0x33: {  	[tilespmem:s19], [sflag:$0xC] =	stream.indirect.gather [hbm4b:s3+s7], $0x20, s20, s7, $0xb8;
	[tilespmem:$0x1D400] =	vst v63  }
0x34: {  	s21 =	simm.s32 $0xC00;
	s20 =	simm.s32 $0x1B400  }
0x35: {  	[tilespmem:s20], [sflag:$0xD] =	stream.indirect.gather [hbm4b:s3+s7], $0x20, s21, s7, $0xb8;
	[tilespmem:$0x1D400] =	vst v63  }
0x36: {  	s21 =	simm.s32 $0x1  }
0x37: {  	_ =	swait.ge [sflag:s21], $0x2000  }
0x38: {  	s22 =	rddreg [dreg:$0x3];
	[sflag:s21] =	ssyncset.done $0x0  }
0x39: {  	[sflag:s21] =	ssyncadd.s32 $0xFFFFE000;
	s5 =	sadd.s32 $0x0, s22  }
0x3a: {  	[hbm4b:s5+s2] =	stream.linear.scatter [tilespmem:s8], [sflag:$0xE], $0x2000, $0x38;
	[tilespmem:$0x1D400] =	vst v63  }
0x3b: {  	_ =	swait.ge [sflag:s6], $0x2000  }
0x3c: {  	[sflag:s6] =	ssyncset.done $0x0  }
0x3d: {  	s8 =	simm.s32 $0x2;
	[sflag:s6] =	ssyncadd.s32 $0xFFFFE000  }
0x3e: {  	_ =	swait.ge [sflag:s8], $0x2000  }
0x3f: {  	s22 =	rddreg [dreg:$0xc];
	[sflag:s8] =	ssyncset.done $0x0  }
0x40: {  	[sflag:s8] =	ssyncadd.s32 $0xFFFFE000;
	s8 =	sadd.s32 $0x0, s22  }
0x41: {  	[hbm4b:s8+s2] =	stream.linear.scatter [tilespmem:s9], [sflag:$0xE], $0x2000, $0x38;
	[tilespmem:$0x1D400] =	vst v63  }
0x42: {  	_ =	swait.ge [sflag:s6], $0x2000  }
0x43: {  	[sflag:s6] =	ssyncset.done $0x0  }
0x44: {  	s21 =	simm.s32 $0x3;
	[sflag:s6] =	ssyncadd.s32 $0xFFFFE000  }
0x45: {  	_ =	swait.ge [sflag:s21], $0x2000  }
0x46: {  	s22 =	rddreg [dreg:$0xb];
	[sflag:s21] =	ssyncset.done $0x0  }
0x47: {  	[sflag:s21] =	ssyncadd.s32 $0xFFFFE000;
	s8 =	sadd.s32 $0x0, s22  }
0x48: {  	[hbm4b:s8+s2] =	stream.linear.scatter [tilespmem:s10], [sflag:$0xE], $0x2000, $0x38;
	[tilespmem:$0x1D400] =	vst v63  }
0x49: {  	_ =	swait.ge [sflag:s6], $0x2000  }
0x4a: {  	[sflag:s6] =	ssyncset.done $0x0  }
0x4b: {  	s8 =	simm.s32 $0x4;
	[sflag:s6] =	ssyncadd.s32 $0xFFFFE000  }
0x4c: {  	_ =	swait.ge [sflag:s8], $0x2000  }
0x4d: {  	s10 =	rddreg [dreg:$0xa];
	[sflag:s8] =	ssyncset.done $0x0  }
0x4e: {  	[sflag:s8] =	ssyncadd.s32 $0xFFFFE000;
	s8 =	sadd.s32 $0x0, s10  }
0x4f: {  	[hbm4b:s8+s2] =	stream.linear.scatter [tilespmem:s11], [sflag:$0xE], $0x2000, $0x38;
	[tilespmem:$0x1D400] =	vst v63  }
0x50: {  	_ =	swait.ge [sflag:s6], $0x2000  }
0x51: {  	[sflag:s6] =	ssyncset.done $0x0  }
0x52: {  	[sflag:s6] =	ssyncadd.s32 $0xFFFFE000  }
0x53: {  	_ =	swait.ge [sflag:s25], $0x2000  }
0x54: {  	[sflag:s25] =	ssyncset.done $0x0  }
0x55: {  	s11 =	sadd.s32 $0x1000, s5;
	[sflag:s25] =	ssyncadd.s32 $0xFFFFE000  }
0x56: {  	[hbm4b:s11+s2] =	stream.linear.scatter [tilespmem:s12], [sflag:$0xE], $0x2000, $0x38;
	[tilespmem:$0x1D400] =	vst v63  }
0x57: {  	_ =	swait.ge [sflag:s6], $0x2000  }
0x58: {  	[sflag:s6] =	ssyncset.done $0x0  }
0x59: {  	[sflag:s6] =	ssyncadd.s32 $0xFFFFE000  }
0x5a: {  	_ =	swait.ge [sflag:s26], $0x2000  }
0x5b: {  	s12 =	rddreg [dreg:$0x9];
	[sflag:s26] =	ssyncset.done $0x0  }
0x5c: {  	[sflag:s26] =	ssyncadd.s32 $0xFFFFE000;
	s8 =	sadd.s32 $0x0, s12  }
0x5d: {  	[hbm4b:s8+s2] =	stream.linear.scatter [tilespmem:s13], [sflag:$0xE], $0x2000, $0x38;
	[tilespmem:$0x1D400] =	vst v63  }
0x5e: {  	_ =	swait.ge [sflag:s6], $0x2000  }
0x5f: {  	[sflag:s6] =	ssyncset.done $0x0  }
0x60: {  	[sflag:s6] =	ssyncadd.s32 $0xFFFFE000  }
0x61: {  	_ =	swait.ge [sflag:s28], $0x2000  }
0x62: {  	s13 =	rddreg [dreg:$0x8];
	[sflag:s28] =	ssyncset.done $0x0  }
0x63: {  	[sflag:s28] =	ssyncadd.s32 $0xFFFFE000;
	s8 =	sadd.s32 $0x0, s13  }
0x64: {  	[hbm4b:s8+s2] =	stream.linear.scatter [tilespmem:s14], [sflag:$0xE], $0x2000, $0x38;
	[tilespmem:$0x1D400] =	vst v63  }
0x65: {  	_ =	swait.ge [sflag:s6], $0x2000  }
0x66: {  	[sflag:s6] =	ssyncset.done $0x0  }
0x67: {  	[sflag:s6] =	ssyncadd.s32 $0xFFFFE000  }
0x68: {  	_ =	swait.ge [sflag:s29], $0x2000  }
0x69: {  	s14 =	rddreg [dreg:$0x7];
	[sflag:s29] =	ssyncset.done $0x0  }
0x6a: {  	[sflag:s29] =	ssyncadd.s32 $0xFFFFE000;
	s8 =	sadd.s32 $0x0, s14  }
0x6b: {  	[hbm4b:s8+s2] =	stream.linear.scatter [tilespmem:s15], [sflag:$0xE], $0x2000, $0x38;
	[tilespmem:$0x1D400] =	vst v63  }
0x6c: {  	_ =	swait.ge [sflag:s6], $0x2000  }
0x6d: {  	[sflag:s6] =	ssyncset.done $0x0  }
0x6e: {  	[sflag:s6] =	ssyncadd.s32 $0xFFFFE000  }
0x6f: {  	_ =	swait.ge [sflag:s30], $0x2000  }
0x70: {  	[sflag:s30] =	ssyncset.done $0x0  }
0x71: {  	s15 =	sadd.s32 $0x2000, s5;
	[sflag:s30] =	ssyncadd.s32 $0xFFFFE000  }
0x72: {  	[hbm4b:s15+s2] =	stream.linear.scatter [tilespmem:s16], [sflag:$0xE], $0x2000, $0x38;
	[tilespmem:$0x1D400] =	vst v63  }
0x73: {  	_ =	swait.ge [sflag:s6], $0x2000  }
0x74: {  	[sflag:s6] =	ssyncset.done $0x0  }
0x75: {  	[sflag:s6] =	ssyncadd.s32 $0xFFFFE000  }
0x76: {  	_ =	swait.ge [sflag:s31], $0x2000  }
0x77: {  	s16 =	rddreg [dreg:$0x6];
	[sflag:s31] =	ssyncset.done $0x0  }
0x78: {  	[sflag:s31] =	ssyncadd.s32 $0xFFFFE000;
	s8 =	sadd.s32 $0x0, s16  }
0x79: {  	[hbm4b:s8+s2] =	stream.linear.scatter [tilespmem:s17], [sflag:$0xE], $0x2000, $0x38;
	[tilespmem:$0x1D400] =	vst v63  }
0x7a: {  	_ =	swait.ge [sflag:s6], $0x2000  }
0x7b: {  	[sflag:s6] =	ssyncset.done $0x0  }
0x7c: {  	[sflag:s6] =	ssyncadd.s32 $0xFFFFE000  }
0x7d: {  	_ =	swait.ge [sflag:s0], $0x2000  }
0x7e: {  	s21 =	rddreg [dreg:$0x5];
	[sflag:s0] =	ssyncset.done $0x0  }
0x7f: {  	[sflag:s0] =	ssyncadd.s32 $0xFFFFE000;
	s8 =	sadd.s32 $0x0, s21  }
0x80: {  	[hbm4b:s8+s2] =	stream.linear.scatter [tilespmem:s18], [sflag:$0xE], $0x2000, $0x38;
	[tilespmem:$0x1D400] =	vst v63  }
0x81: {  	_ =	swait.ge [sflag:s6], $0x2000  }
0x82: {  	[sflag:s6] =	ssyncset.done $0x0  }
0x83: {  	[sflag:s6] =	ssyncadd.s32 $0xFFFFE000  }
0x84: {  	_ =	swait.ge [sflag:s1], $0x2000  }
0x85: {  	s22 =	rddreg [dreg:$0x4];
	[sflag:s1] =	ssyncset.done $0x0  }
0x86: {  	[sflag:s1] =	ssyncadd.s32 $0xFFFFE000;
	s8 =	sadd.s32 $0x0, s22  }
0x87: {  	[hbm4b:s8+s2] =	stream.linear.scatter [tilespmem:s19], [sflag:$0xE], $0x2000, $0x38;
	[tilespmem:$0x1D400] =	vst v63  }
0x88: {  	_ =	swait.ge [sflag:s6], $0x2000  }
0x89: {  	[sflag:s6] =	ssyncset.done $0x0  }
0x8a: {  	[sflag:s6] =	ssyncadd.s32 $0xFFFFE000  }
0x8b: {  	_ =	swait.ge [sflag:s4], $0x2000  }
0x8c: {  	[sflag:s4] =	ssyncset.done $0x0  }
0x8d: {  	s5 =	sadd.s32 $0x3000, s5;
	[sflag:s4] =	ssyncadd.s32 $0xFFFFE000  }
0x8e: {  	[hbm4b:s5+s2] =	stream.linear.scatter [tilespmem:s20], [sflag:$0xE], $0x2000, $0x38;
	[tilespmem:$0x1D400] =	vst v63  }
0x8f: {  	_ =	swait.ge [sflag:s6], $0x2000  }
0x90: {  	s10 =	simm.s32 $0x6800;
	s5 =	simm.s32 $0x3400;
	[sflag:s6] =	ssyncset.done $0x0  }
.LBB2_2:
0x91: {  	s11 =	sshra.s32 s5, $0x2;
	[sflag:s6] =	ssyncadd.s32 $0xFFFFE000;
	s12 =	simm.s32 $0x3400  }
0x92: {  	[tilespmem:s12], [sflag:$0x1] =	stream.indirect.gather [hbm4b:s3+s7], $0x20, s11, s7, $0xb8;
	[tilespmem:$0x1D400] =	vst v63  }
0x93: {  	s13 =	simm.s32 $0x5400;
	s14 =	sadd.s32 $0x100, s11  }
0x94: {  	[tilespmem:s13], [sflag:$0x2] =	stream.indirect.gather [hbm4b:s3+s7], $0x20, s14, s7, $0xb8;
	[tilespmem:$0x1D400] =	vst v63  }
0x95: {  	s15 =	sadd.s32 $0x200, s11;
	s14 =	simm.s32 $0x7400  }
0x96: {  	[tilespmem:s14], [sflag:$0x3] =	stream.indirect.gather [hbm4b:s3+s7], $0x20, s15, s7, $0xb8;
	[tilespmem:$0x1D400] =	vst v63  }
0x97: {  	s16 =	sadd.s32 $0x300, s11;
	s15 =	simm.s32 $0x9400  }
0x98: {  	[tilespmem:s15], [sflag:$0x4] =	stream.indirect.gather [hbm4b:s3+s7], $0x20, s16, s7, $0xb8;
	[tilespmem:$0x1D400] =	vst v63  }
0x99: {  	s17 =	sadd.s32 $0x400, s11;
	s16 =	simm.s32 $0xB400  }
0x9a: {  	[tilespmem:s16], [sflag:$0x5] =	stream.indirect.gather [hbm4b:s3+s7], $0x20, s17, s7, $0xb8;
	[tilespmem:$0x1D400] =	vst v63  }
0x9b: {  	s18 =	sadd.s32 $0x500, s11;
	s17 =	simm.s32 $0xD400  }
0x9c: {  	[tilespmem:s17], [sflag:$0x6] =	stream.indirect.gather [hbm4b:s3+s7], $0x20, s18, s7, $0xb8;
	[tilespmem:$0x1D400] =	vst v63  }
0x9d: {  	s19 =	sadd.s32 $0x600, s11;
	s18 =	simm.s32 $0xF400  }
0x9e: {  	[tilespmem:s18], [sflag:$0x7] =	stream.indirect.gather [hbm4b:s3+s7], $0x20, s19, s7, $0xb8;
	[tilespmem:$0x1D400] =	vst v63  }
0x9f: {  	s20 =	sadd.s32 $0x700, s11;
	s19 =	simm.s32 $0x11400  }
0xa0: {  	[tilespmem:s19], [sflag:$0x8] =	stream.indirect.gather [hbm4b:s3+s7], $0x20, s20, s7, $0xb8;
	[tilespmem:$0x1D400] =	vst v63  }
0xa1: {  	s9 =	smov.u32 s10;
	s21 =	sadd.s32 $0x800, s11;
	s20 =	simm.s32 $0x13400  }
0xa2: {  	[tilespmem:s20], [sflag:$0x9] =	stream.indirect.gather [hbm4b:s3+s7], $0x20, s21, s7, $0xb8;
	[tilespmem:$0x1D400] =	vst v63  }
0xa3: {  	s8 =	sadd.s32 $0x3400, s10;
	s22 =	sadd.s32 $0x900, s11;
	s21 =	simm.s32 $0x15400  }
0xa4: {  	[tilespmem:s21], [sflag:$0xA] =	stream.indirect.gather [hbm4b:s3+s7], $0x20, s22, s7, $0xb8;
	[tilespmem:$0x1D400] =	vst v63  }
0xa5: {  	p0 =	sne.s32 s10, $0x9C00;
	s10 =	sadd.s32 $0xA00, s11;
	s22 =	simm.s32 $0x17400  }
0xa6: {  	[tilespmem:s22], [sflag:$0xB] =	stream.indirect.gather [hbm4b:s3+s7], $0x20, s10, s7, $0xb8;
	[tilespmem:$0x1D400] =	vst v63  }
0xa7: {  	s10 =	sadd.s32 $0xB00, s11  }
0xa8: {  	[tilespmem:s23], [sflag:$0xC] =	stream.indirect.gather [hbm4b:s3+s7], $0x20, s10, s7, $0xb8;
	[tilespmem:$0x1D400] =	vst v63  }
0xa9: {  	s11 =	sadd.s32 $0xC00, s11  }
0xaa: {  	[tilespmem:s24], [sflag:$0xD] =	stream.indirect.gather [hbm4b:s3+s7], $0x20, s11, s7, $0xb8;
	[tilespmem:$0x1D400] =	vst v63  }
0xab: {  	s11 =	simm.s32 $0x1  }
0xac: {  	_ =	swait.ge [sflag:s11], $0x2000  }
0xad: {  	s10 =	rddreg [dreg:$0x3];
	[sflag:s11] =	ssyncset.done $0x0  }
0xae: {  	[sflag:s11] =	ssyncadd.s32 $0xFFFFE000;
	s10 =	sadd.s32 s5, s10  }
0xaf: {  	[hbm4b:s10+s2] =	stream.linear.scatter [tilespmem:s12], [sflag:$0xE], $0x2000, $0x38;
	[tilespmem:$0x1D400] =	vst v63  }
0xb0: {  	_ =	swait.ge [sflag:s6], $0x2000  }
0xb1: {  	[sflag:s6] =	ssyncset.done $0x0  }
0xb2: {  	s12 =	simm.s32 $0x2;
	[sflag:s6] =	ssyncadd.s32 $0xFFFFE000  }
0xb3: {  	_ =	swait.ge [sflag:s12], $0x2000  }
0xb4: {  	s11 =	rddreg [dreg:$0xc];
	[sflag:s12] =	ssyncset.done $0x0  }
0xb5: {  	[sflag:s12] =	ssyncadd.s32 $0xFFFFE000;
	s11 =	sadd.s32 s5, s11  }
0xb6: {  	[hbm4b:s11+s2] =	stream.linear.scatter [tilespmem:s13], [sflag:$0xE], $0x2000, $0x38;
	[tilespmem:$0x1D400] =	vst v63  }
0xb7: {  	_ =	swait.ge [sflag:s6], $0x2000  }
0xb8: {  	[sflag:s6] =	ssyncset.done $0x0  }
0xb9: {  	s11 =	simm.s32 $0x3;
	[sflag:s6] =	ssyncadd.s32 $0xFFFFE000  }
0xba: {  	_ =	swait.ge [sflag:s11], $0x2000  }
0xbb: {  	s13 =	rddreg [dreg:$0xb];
	[sflag:s11] =	ssyncset.done $0x0  }
0xbc: {  	[sflag:s11] =	ssyncadd.s32 $0xFFFFE000;
	s11 =	sadd.s32 s5, s13  }
0xbd: {  	[hbm4b:s11+s2] =	stream.linear.scatter [tilespmem:s14], [sflag:$0xE], $0x2000, $0x38;
	[tilespmem:$0x1D400] =	vst v63  }
0xbe: {  	_ =	swait.ge [sflag:s6], $0x2000  }
0xbf: {  	[sflag:s6] =	ssyncset.done $0x0  }
0xc0: {  	s11 =	simm.s32 $0x4;
	[sflag:s6] =	ssyncadd.s32 $0xFFFFE000  }
0xc1: {  	_ =	swait.ge [sflag:s11], $0x2000  }
0xc2: {  	s13 =	rddreg [dreg:$0xa];
	[sflag:s11] =	ssyncset.done $0x0  }
0xc3: {  	[sflag:s11] =	ssyncadd.s32 $0xFFFFE000;
	s11 =	sadd.s32 s5, s13  }
0xc4: {  	[hbm4b:s11+s2] =	stream.linear.scatter [tilespmem:s15], [sflag:$0xE], $0x2000, $0x38;
	[tilespmem:$0x1D400] =	vst v63  }
0xc5: {  	_ =	swait.ge [sflag:s6], $0x2000  }
0xc6: {  	[sflag:s6] =	ssyncset.done $0x0  }
0xc7: {  	[sflag:s6] =	ssyncadd.s32 $0xFFFFE000  }
0xc8: {  	_ =	swait.ge [sflag:s25], $0x2000  }
0xc9: {  	[sflag:s25] =	ssyncset.done $0x0  }
0xca: {  	s14 =	sadd.s32 $0x1000, s10;
	[sflag:s25] =	ssyncadd.s32 $0xFFFFE000  }
0xcb: {  	[hbm4b:s14+s2] =	stream.linear.scatter [tilespmem:s16], [sflag:$0xE], $0x2000, $0x38;
	[tilespmem:$0x1D400] =	vst v63  }
0xcc: {  	_ =	swait.ge [sflag:s6], $0x2000  }
0xcd: {  	[sflag:s6] =	ssyncset.done $0x0  }
0xce: {  	[sflag:s6] =	ssyncadd.s32 $0xFFFFE000  }
0xcf: {  	_ =	swait.ge [sflag:s26], $0x2000  }
0xd0: {  	s15 =	rddreg [dreg:$0x9];
	[sflag:s26] =	ssyncset.done $0x0  }
0xd1: {  	[sflag:s26] =	ssyncadd.s32 $0xFFFFE000;
	s11 =	sadd.s32 s5, s15  }
0xd2: {  	[hbm4b:s11+s2] =	stream.linear.scatter [tilespmem:s17], [sflag:$0xE], $0x2000, $0x38;
	[tilespmem:$0x1D400] =	vst v63  }
0xd3: {  	_ =	swait.ge [sflag:s6], $0x2000  }
0xd4: {  	[sflag:s6] =	ssyncset.done $0x0  }
0xd5: {  	[sflag:s6] =	ssyncadd.s32 $0xFFFFE000  }
0xd6: {  	_ =	swait.ge [sflag:s28], $0x2000  }
0xd7: {  	s16 =	rddreg [dreg:$0x8];
	[sflag:s28] =	ssyncset.done $0x0  }
0xd8: {  	[sflag:s28] =	ssyncadd.s32 $0xFFFFE000;
	s11 =	sadd.s32 s5, s16  }
0xd9: {  	[hbm4b:s11+s2] =	stream.linear.scatter [tilespmem:s18], [sflag:$0xE], $0x2000, $0x38;
	[tilespmem:$0x1D400] =	vst v63  }
0xda: {  	_ =	swait.ge [sflag:s6], $0x2000  }
0xdb: {  	[sflag:s6] =	ssyncset.done $0x0  }
0xdc: {  	[sflag:s6] =	ssyncadd.s32 $0xFFFFE000  }
0xdd: {  	_ =	swait.ge [sflag:s29], $0x2000  }
0xde: {  	s17 =	rddreg [dreg:$0x7];
	[sflag:s29] =	ssyncset.done $0x0  }
0xdf: {  	[sflag:s29] =	ssyncadd.s32 $0xFFFFE000;
	s11 =	sadd.s32 s5, s17  }
0xe0: {  	[hbm4b:s11+s2] =	stream.linear.scatter [tilespmem:s19], [sflag:$0xE], $0x2000, $0x38;
	[tilespmem:$0x1D400] =	vst v63  }
0xe1: {  	_ =	swait.ge [sflag:s6], $0x2000  }
0xe2: {  	[sflag:s6] =	ssyncset.done $0x0  }
0xe3: {  	[sflag:s6] =	ssyncadd.s32 $0xFFFFE000  }
0xe4: {  	_ =	swait.ge [sflag:s30], $0x2000  }
0xe5: {  	[sflag:s30] =	ssyncset.done $0x0  }
0xe6: {  	s18 =	sadd.s32 $0x2000, s10;
	[sflag:s30] =	ssyncadd.s32 $0xFFFFE000  }
0xe7: {  	[hbm4b:s18+s2] =	stream.linear.scatter [tilespmem:s20], [sflag:$0xE], $0x2000, $0x38;
	[tilespmem:$0x1D400] =	vst v63  }
0xe8: {  	_ =	swait.ge [sflag:s6], $0x2000  }
0xe9: {  	[sflag:s6] =	ssyncset.done $0x0  }
0xea: {  	[sflag:s6] =	ssyncadd.s32 $0xFFFFE000  }
0xeb: {  	_ =	swait.ge [sflag:s31], $0x2000  }
0xec: {  	s19 =	rddreg [dreg:$0x6];
	[sflag:s31] =	ssyncset.done $0x0  }
0xed: {  	[sflag:s31] =	ssyncadd.s32 $0xFFFFE000;
	s11 =	sadd.s32 s5, s19  }
0xee: {  	[hbm4b:s11+s2] =	stream.linear.scatter [tilespmem:s21], [sflag:$0xE], $0x2000, $0x38;
	[tilespmem:$0x1D400] =	vst v63  }
0xef: {  	_ =	swait.ge [sflag:s6], $0x2000  }
0xf0: {  	[sflag:s6] =	ssyncset.done $0x0  }
0xf1: {  	[sflag:s6] =	ssyncadd.s32 $0xFFFFE000  }
0xf2: {  	_ =	swait.ge [sflag:s0], $0x2000  }
0xf3: {  	s20 =	rddreg [dreg:$0x5];
	[sflag:s0] =	ssyncset.done $0x0  }
0xf4: {  	[sflag:s0] =	ssyncadd.s32 $0xFFFFE000;
	s11 =	sadd.s32 s5, s20  }
0xf5: {  	[hbm4b:s11+s2] =	stream.linear.scatter [tilespmem:s22], [sflag:$0xE], $0x2000, $0x38;
	[tilespmem:$0x1D400] =	vst v63  }
0xf6: {  	_ =	swait.ge [sflag:s6], $0x2000  }
0xf7: {  	[sflag:s6] =	ssyncset.done $0x0  }
0xf8: {  	[sflag:s6] =	ssyncadd.s32 $0xFFFFE000  }
0xf9: {  	_ =	swait.ge [sflag:s1], $0x2000  }
0xfa: {  	s21 =	rddreg [dreg:$0x4];
	[sflag:s1] =	ssyncset.done $0x0  }
0xfb: {  	[sflag:s1] =	ssyncadd.s32 $0xFFFFE000;
	s11 =	sadd.s32 s5, s21  }
0xfc: {  	[hbm4b:s11+s2] =	stream.linear.scatter [tilespmem:s23], [sflag:$0xE], $0x2000, $0x38;
	[tilespmem:$0x1D400] =	vst v63  }
0xfd: {  	_ =	swait.ge [sflag:s6], $0x2000  }
0xfe: {  	[sflag:s6] =	ssyncset.done $0x0  }
0xff: {  	[sflag:s6] =	ssyncadd.s32 $0xFFFFE000  }
0x100: {  	_ =	swait.ge [sflag:s4], $0x2000  }
.Ltmp0:
0x101: {  	[sflag:s4] =	ssyncset.done $0x0;
	(pc) =	sbr.rel @p0 .LBB2_2-.Ltmp0, $4  }
0x102: {  	s22 =	sadd.s32 $0x3000, s10;
	[sflag:s4] =	ssyncadd.s32 $0xFFFFE000  }
0x103: {  	[hbm4b:s22+s2] =	stream.linear.scatter [tilespmem:s24], [sflag:$0xE], $0x2000, $0x38;
	[tilespmem:$0x1D400] =	vst v63  }
0x104: {  	_ =	swait.ge [sflag:s6], $0x2000  }
0x105: {  	s10 =	smov.u32 s8;
	s5 =	smov.u32 s9;
	[sflag:s6] =	ssyncset.done $0x0  }
0x106: {  	s8 =	sshra.s32 s5, $0x2;
	[sflag:s6] =	ssyncadd.s32 $0xFFFFE000;
	s10 =	simm.s32 $0x3400  }
0x107: {  	[tilespmem:s10], [sflag:$0x1] =	stream.indirect.gather [hbm4b:s3+s7], $0x20, s8, s7, $0xb8;
	[tilespmem:$0x1D400] =	vst v63  }
0x108: {  	s11 =	simm.s32 $0x5400;
	s9 =	sadd.s32 $0x100, s8  }
0x109: {  	[tilespmem:s11], [sflag:$0x2] =	stream.indirect.gather [hbm4b:s3+s7], $0x20, s9, s7, $0xb8;
	[tilespmem:$0x1D400] =	vst v63  }
0x10a: {  	s12 =	simm.s32 $0x7400;
	s13 =	sadd.s32 $0x200, s8  }
0x10b: {  	[tilespmem:s12], [sflag:$0x3] =	stream.indirect.gather [hbm4b:s3+s7], $0x20, s13, s7, $0xb8;
	[tilespmem:$0x1D400] =	vst v63  }
0x10c: {  	s14 =	sadd.s32 $0x300, s8;
	s13 =	simm.s32 $0x9400  }
0x10d: {  	[tilespmem:s13], [sflag:$0x4] =	stream.indirect.gather [hbm4b:s3+s7], $0x20, s14, s7, $0xb8;
	[tilespmem:$0x1D400] =	vst v63  }
0x10e: {  	s15 =	sadd.s32 $0x400, s8;
	s14 =	simm.s32 $0xB400  }
0x10f: {  	[tilespmem:s14], [sflag:$0x5] =	stream.indirect.gather [hbm4b:s3+s7], $0x20, s15, s7, $0xb8;
	[tilespmem:$0x1D400] =	vst v63  }
0x110: {  	s16 =	sadd.s32 $0x500, s8;
	s15 =	simm.s32 $0xD400  }
0x111: {  	[tilespmem:s15], [sflag:$0x6] =	stream.indirect.gather [hbm4b:s3+s7], $0x20, s16, s7, $0xb8;
	[tilespmem:$0x1D400] =	vst v63  }
0x112: {  	s17 =	sadd.s32 $0x600, s8;
	s16 =	simm.s32 $0xF400  }
0x113: {  	[tilespmem:s16], [sflag:$0x7] =	stream.indirect.gather [hbm4b:s3+s7], $0x20, s17, s7, $0xb8;
	[tilespmem:$0x1D400] =	vst v63  }
0x114: {  	s18 =	sadd.s32 $0x700, s8;
	s17 =	simm.s32 $0x11400  }
0x115: {  	[tilespmem:s17], [sflag:$0x8] =	stream.indirect.gather [hbm4b:s3+s7], $0x20, s18, s7, $0xb8;
	[tilespmem:$0x1D400] =	vst v63  }
0x116: {  	s19 =	sadd.s32 $0x800, s8;
	s18 =	simm.s32 $0x13400  }
0x117: {  	[tilespmem:s18], [sflag:$0x9] =	stream.indirect.gather [hbm4b:s3+s7], $0x20, s19, s7, $0xb8;
	[tilespmem:$0x1D400] =	vst v63  }
0x118: {  	s20 =	sadd.s32 $0x900, s8;
	s19 =	simm.s32 $0x15400  }
0x119: {  	[tilespmem:s19], [sflag:$0xA] =	stream.indirect.gather [hbm4b:s3+s7], $0x20, s20, s7, $0xb8;
	[tilespmem:$0x1D400] =	vst v63  }
0x11a: {  	s21 =	sadd.s32 $0xA00, s8;
	s20 =	simm.s32 $0x17400  }
0x11b: {  	[tilespmem:s20], [sflag:$0xB] =	stream.indirect.gather [hbm4b:s3+s7], $0x20, s21, s7, $0xb8;
	[tilespmem:$0x1D400] =	vst v63  }
0x11c: {  	s22 =	sadd.s32 $0xB00, s8;
	s21 =	simm.s32 $0x19400  }
0x11d: {  	[tilespmem:s21], [sflag:$0xC] =	stream.indirect.gather [hbm4b:s3+s7], $0x20, s22, s7, $0xb8;
	[tilespmem:$0x1D400] =	vst v63  }
0x11e: {  	s8 =	sadd.s32 $0xC00, s8;
	s9 =	simm.s32 $0x1;
	s22 =	simm.s32 $0x1B400  }
0x11f: {  	[tilespmem:s22], [sflag:$0xD] =	stream.indirect.gather [hbm4b:s3+s7], $0x20, s8, s7, $0xb8;
	[tilespmem:$0x1D400] =	vst v63  }
0x120: {  	_ =	swait.ge [sflag:s9], $0x2000  }
0x121: {  	s8 =	rddreg [dreg:$0x3];
	[sflag:s9] =	ssyncset.done $0x0  }
0x122: {  	[sflag:s9] =	ssyncadd.s32 $0xFFFFE000;
	s8 =	sadd.s32 s5, s8  }
0x123: {  	[hbm4b:s8+s2] =	stream.linear.scatter [tilespmem:s10], [sflag:$0xE], $0x2000, $0x38;
	[tilespmem:$0x1D400] =	vst v63  }
0x124: {  	_ =	swait.ge [sflag:s6], $0x2000  }
0x125: {  	[sflag:s6] =	ssyncset.done $0x0  }
0x126: {  	s10 =	simm.s32 $0x2;
	[sflag:s6] =	ssyncadd.s32 $0xFFFFE000  }
0x127: {  	_ =	swait.ge [sflag:s10], $0x2000  }
0x128: {  	s9 =	rddreg [dreg:$0xc];
	[sflag:s10] =	ssyncset.done $0x0  }
0x129: {  	[sflag:s10] =	ssyncadd.s32 $0xFFFFE000;
	s9 =	sadd.s32 s5, s9  }
0x12a: {  	[hbm4b:s9+s2] =	stream.linear.scatter [tilespmem:s11], [sflag:$0xE], $0x2000, $0x38;
	[tilespmem:$0x1D400] =	vst v63  }
0x12b: {  	_ =	swait.ge [sflag:s6], $0x2000  }
0x12c: {  	[sflag:s6] =	ssyncset.done $0x0  }
0x12d: {  	s9 =	simm.s32 $0x3;
	[sflag:s6] =	ssyncadd.s32 $0xFFFFE000  }
0x12e: {  	_ =	swait.ge [sflag:s9], $0x2000  }
0x12f: {  	s11 =	rddreg [dreg:$0xb];
	[sflag:s9] =	ssyncset.done $0x0  }
0x130: {  	[sflag:s9] =	ssyncadd.s32 $0xFFFFE000;
	s9 =	sadd.s32 s5, s11  }
0x131: {  	[hbm4b:s9+s2] =	stream.linear.scatter [tilespmem:s12], [sflag:$0xE], $0x2000, $0x38;
	[tilespmem:$0x1D400] =	vst v63  }
0x132: {  	_ =	swait.ge [sflag:s6], $0x2000  }
0x133: {  	[sflag:s6] =	ssyncset.done $0x0  }
0x134: {  	s11 =	simm.s32 $0x4;
	[sflag:s6] =	ssyncadd.s32 $0xFFFFE000  }
0x135: {  	_ =	swait.ge [sflag:s11], $0x2000  }
0x136: {  	s12 =	rddreg [dreg:$0xa];
	[sflag:s11] =	ssyncset.done $0x0  }
0x137: {  	[sflag:s11] =	ssyncadd.s32 $0xFFFFE000;
	s9 =	sadd.s32 s5, s12  }
0x138: {  	[hbm4b:s9+s2] =	stream.linear.scatter [tilespmem:s13], [sflag:$0xE], $0x2000, $0x38;
	[tilespmem:$0x1D400] =	vst v63  }
0x139: {  	_ =	swait.ge [sflag:s6], $0x2000  }
0x13a: {  	[sflag:s6] =	ssyncset.done $0x0  }
0x13b: {  	[sflag:s6] =	ssyncadd.s32 $0xFFFFE000  }
0x13c: {  	_ =	swait.ge [sflag:s25], $0x2000  }
0x13d: {  	[sflag:s25] =	ssyncset.done $0x0  }
0x13e: {  	s11 =	sadd.s32 $0x1000, s8;
	[sflag:s25] =	ssyncadd.s32 $0xFFFFE000  }
0x13f: {  	[hbm4b:s11+s2] =	stream.linear.scatter [tilespmem:s14], [sflag:$0xE], $0x2000, $0x38;
	[tilespmem:$0x1D400] =	vst v63  }
0x140: {  	_ =	swait.ge [sflag:s6], $0x2000  }
0x141: {  	[sflag:s6] =	ssyncset.done $0x0  }
0x142: {  	[sflag:s6] =	ssyncadd.s32 $0xFFFFE000  }
0x143: {  	_ =	swait.ge [sflag:s26], $0x2000  }
0x144: {  	s12 =	rddreg [dreg:$0x9];
	[sflag:s26] =	ssyncset.done $0x0  }
0x145: {  	[sflag:s26] =	ssyncadd.s32 $0xFFFFE000;
	s9 =	sadd.s32 s5, s12  }
0x146: {  	[hbm4b:s9+s2] =	stream.linear.scatter [tilespmem:s15], [sflag:$0xE], $0x2000, $0x38;
	[tilespmem:$0x1D400] =	vst v63  }
0x147: {  	_ =	swait.ge [sflag:s6], $0x2000  }
0x148: {  	[sflag:s6] =	ssyncset.done $0x0  }
0x149: {  	[sflag:s6] =	ssyncadd.s32 $0xFFFFE000  }
0x14a: {  	_ =	swait.ge [sflag:s28], $0x2000  }
0x14b: {  	s13 =	rddreg [dreg:$0x8];
	[sflag:s28] =	ssyncset.done $0x0  }
0x14c: {  	[sflag:s28] =	ssyncadd.s32 $0xFFFFE000;
	s9 =	sadd.s32 s5, s13  }
0x14d: {  	[hbm4b:s9+s2] =	stream.linear.scatter [tilespmem:s16], [sflag:$0xE], $0x2000, $0x38;
	[tilespmem:$0x1D400] =	vst v63  }
0x14e: {  	_ =	swait.ge [sflag:s6], $0x2000  }
0x14f: {  	[sflag:s6] =	ssyncset.done $0x0  }
0x150: {  	[sflag:s6] =	ssyncadd.s32 $0xFFFFE000  }
0x151: {  	_ =	swait.ge [sflag:s29], $0x2000  }
0x152: {  	s14 =	rddreg [dreg:$0x7];
	[sflag:s29] =	ssyncset.done $0x0  }
0x153: {  	[sflag:s29] =	ssyncadd.s32 $0xFFFFE000;
	s9 =	sadd.s32 s5, s14  }
0x154: {  	[hbm4b:s9+s2] =	stream.linear.scatter [tilespmem:s17], [sflag:$0xE], $0x2000, $0x38;
	[tilespmem:$0x1D400] =	vst v63  }
0x155: {  	_ =	swait.ge [sflag:s6], $0x2000  }
0x156: {  	[sflag:s6] =	ssyncset.done $0x0  }
0x157: {  	[sflag:s6] =	ssyncadd.s32 $0xFFFFE000  }
0x158: {  	_ =	swait.ge [sflag:s30], $0x2000  }
0x159: {  	[sflag:s30] =	ssyncset.done $0x0  }
0x15a: {  	s15 =	sadd.s32 $0x2000, s8;
	[sflag:s30] =	ssyncadd.s32 $0xFFFFE000  }
0x15b: {  	[hbm4b:s15+s2] =	stream.linear.scatter [tilespmem:s18], [sflag:$0xE], $0x2000, $0x38;
	[tilespmem:$0x1D400] =	vst v63  }
0x15c: {  	_ =	swait.ge [sflag:s6], $0x2000  }
0x15d: {  	[sflag:s6] =	ssyncset.done $0x0  }
0x15e: {  	[sflag:s6] =	ssyncadd.s32 $0xFFFFE000  }
0x15f: {  	_ =	swait.ge [sflag:s31], $0x2000  }
0x160: {  	s16 =	rddreg [dreg:$0x6];
	[sflag:s31] =	ssyncset.done $0x0  }
0x161: {  	[sflag:s31] =	ssyncadd.s32 $0xFFFFE000;
	s9 =	sadd.s32 s5, s16  }
0x162: {  	[hbm4b:s9+s2] =	stream.linear.scatter [tilespmem:s19], [sflag:$0xE], $0x2000, $0x38;
	[tilespmem:$0x1D400] =	vst v63  }
0x163: {  	_ =	swait.ge [sflag:s6], $0x2000  }
0x164: {  	[sflag:s6] =	ssyncset.done $0x0  }
0x165: {  	[sflag:s6] =	ssyncadd.s32 $0xFFFFE000  }
0x166: {  	_ =	swait.ge [sflag:s0], $0x2000  }
0x167: {  	s17 =	rddreg [dreg:$0x5];
	[sflag:s0] =	ssyncset.done $0x0  }
0x168: {  	[sflag:s0] =	ssyncadd.s32 $0xFFFFE000;
	s9 =	sadd.s32 s5, s17  }
0x169: {  	[hbm4b:s9+s2] =	stream.linear.scatter [tilespmem:s20], [sflag:$0xE], $0x2000, $0x38;
	[tilespmem:$0x1D400] =	vst v63  }
0x16a: {  	_ =	swait.ge [sflag:s6], $0x2000  }
0x16b: {  	[sflag:s6] =	ssyncset.done $0x0  }
0x16c: {  	[sflag:s6] =	ssyncadd.s32 $0xFFFFE000  }
0x16d: {  	_ =	swait.ge [sflag:s1], $0x2000  }
0x16e: {  	s18 =	rddreg [dreg:$0x4];
	[sflag:s1] =	ssyncset.done $0x0  }
0x16f: {  	s19 =	sadd.s32 s5, s18;
	[sflag:s1] =	ssyncadd.s32 $0xFFFFE000  }
0x170: {  	[hbm4b:s19+s2] =	stream.linear.scatter [tilespmem:s21], [sflag:$0xE], $0x2000, $0x38;
	[tilespmem:$0x1D400] =	vst v63  }
0x171: {  	_ =	swait.ge [sflag:s6], $0x2000  }
0x172: {  	[sflag:s6] =	ssyncset.done $0x0  }
0x173: {  	[sflag:s6] =	ssyncadd.s32 $0xFFFFE000  }
0x174: {  	_ =	swait.ge [sflag:s4], $0x2000  }
0x175: {  	[sflag:s4] =	ssyncset.done $0x0  }
0x176: {  	s20 =	sadd.s32 $0x3000, s8;
	[sflag:s4] =	ssyncadd.s32 $0xFFFFE000  }
0x177: {  	[hbm4b:s20+s2] =	stream.linear.scatter [tilespmem:s22], [sflag:$0xE], $0x2000, $0x38;
	[tilespmem:$0x1D400] =	vst v63  }
0x178: {  	_ =	swait.ge [sflag:s6], $0x2000  }
0x179: {  	s21 =	rddreg [dreg:$0xf]  }
0x17a: {  	s22 =	rddreg [dreg:$0xe];
	s8 =	sadd.s32 $0x1, s21  }
0x17b: {  	p0 =	sne.s32 s8, s22  }
.Ltmp1:
0x17c: {  	_ = 	snop;
	(pc) =	sbr.rel @p0 .LBB2_1-.Ltmp1, $3  }
0x17d: {  	_ =	sdelay $0x1  }
0x17e: {  	[sflag:s6] =	ssyncset.done $0x0  }
0x17f: {  	[sflag:s6] =	ssyncadd.s32 $0xFFFFE000  }
0x180: {  	_ =	sfence.sel $0x180000  }
0x181: {  	[bflag:$0x0] =	sbarrier.arrive $0xFFFF  }
0x182: {  	_ =	strace $0x90000047  }
0x183: {  	s0 =	stileid.u32;
	[bflag:$0x2] =	sbarrier.arrive $0xFFFF  }
0x184: {  	p0 =	sne.s32 s0, $0x0;
	s0 =	rddreg [dreg:$0x2]  }
0x185: {  	s0 =	sadd.s32 @!p0 $0x100000, s0  }
0x186: {  	[sflag:s0] =	ssyncadd.tile.s32 @!p0 $0x1;
	_ =	shalt  }
.Lfunc_end2:
_tile_overlayer_lowered:
.L_overlay_start_2:
0x187: {  	(tag) =	ssettag $0x2  }
0x188: {  	s0 =	rddreg [dreg:$0x0];
	s2 =	stileid.u32  }
0x189: {  	s1 =	rddreg [dreg:$0x1];
	p0 =	sne.s32 s2, $0x0  }
0x18a: {  	s3 =	rddreg [dreg:$0x2];
	[bflag:$0x3] =	sbarrier.arrive $0xFFFF;
	s2 =	simm.s32 @!p0 $0x1C0E  }
0x18b: {  	[timem:s3], [sflag:s2] =	dma.local @!p0 [hbm:s0], s1  }
0x18c: {  	s0 =	simm.s32 @!p0 $0xE  }
0x18d: {  	_ =	swait.ge @!p0 [sflag:s0], s1  }
0x18e: {  	s1 =	ssub.s32 @!p0 $0x0, s1;
	[sflag:s0] =	ssyncset.done @!p0 $0x0  }
0x18f: {  	[sflag:s0] =	ssyncadd.s32 @!p0 s1  }
0x190: {  	[bflag:$0x3] =	sbarrier.arrive $0xFFFF  }
0x191: {  	_ =	shalt  }

// kernel: sparse-core-data-format-call.cloned.1.call-start
scs
called_computation_lowered:
.L_overlay_start_0:
0x0: {  	s2 =	sld [smem:$0x3FD9]  }
0x1: {  	s3 =	sld [smem:$0x3FFE];
	_ =	sdelay $0x1  }
0x2: {  	s1 =	srdreg.scid  }
0x3: {  	s0 =	sand.u32 $0x1, s1  }
0x4: {  	s18 =	sshll.u32 s0, $0xA;
	s2 =	sadd.s32 s3, s2  }
0x5: {  	s2 =	sadd.s32 s2, s18  }
0x6: {  	[smem:$0x3FC6] =	sst s2  }
0x7: {  	_ = 	snop  }
0x8: {  	s2 =	sld [smem:$0x3FD0];
	(tm) =	ssettm $0x1  }
0x9: {  	s19 =	sld [smem:$0x3FFB];
	_ =	sdelay $0x3  }
0xa: {  	_ =	strace s19  }
0xb: {  	s3 =	sld [smem:$0x3FFC];
	_ =	sdelay $0x3  }
0xc: {  	_ =	strace s3  }
0xd: {  	s3 =	sld [smem:$0x3FFD];
	_ =	sdelay $0x3  }
0xe: {  	_ =	strace s3  }
0xf: {  	_ =	strace $0x8FFFFFFF  }
0x10: {  	s20 =	sld [smem:$0x3FDB];
	_ =	sdelay $0x1  }
0x11: {  	s4 =	simm.s32 $_scs_section_size  }
0x12: {  	s5 =	simm.s32 $_size__tile_overlayer_lowered;
	s6 =	simm.s32 $_tile_overlayer_lowered  }
0x13: {  	s23 =	simm.s32 $0x1BFF;
	s22 =	sshll.u32 s6, $0x1;
	s3 =	sadd.s32 s4, s20  }
0x14: {  	s7 =	simm.s32 $0x0;
	s21 =	sshll.u32 s5, $0x1;
	s5 =	sadd.s32 s22, s3  }
0x15: {  	[timem:s7], [sflag:s23] =	dma.local [hbm:s5], s21  }
0x16: {  	_ =	swait.ge [sflag:s23], s21  }
0x17: {  	s4 =	ssub.s32 $0x0, s21;
	[sflag:s23] =	ssyncset.done $0x0  }
0x18: {  	[sflag:s23] =	ssyncadd.s32 s4;
	_ =	sdelay $0x1  }
0x19: {  	s24 =	simm.s32 $0x1B8B  }
0x1a: {  	_ =	swait.ge [sflag:s24], $0x1  }
0x1b: {  	[sflag:s24] =	ssyncset.done $0x0  }
0x1c: {  	s26 =	simm.s32 $0x1B8E;
	s25 =	sld [smem:$0x3FFE];
	[sflag:s24] =	ssyncadd.s32 $0xFFFFFFFF  }
0x1d: {  	s27 =	simm.s32 $execute0_lowered;
	[smem:$0x3FD2] =	sst s26  }
0x1e: {  	s5 =	sshll.u32 s27, $0x1;
	_ =	strace $0x80000049;
	[dreg:$0x1] =	wrdreg $0xFFFFFFFF  }
0x1f: {  	s28 =	simm.s32 $_size_execute0_lowered;
	s3 =	sadd.s32 s3, s5;
	[dreg:$0x0] =	wrdreg $0x0  }
0x20: {  	s5 =	sshll.u32 s28, $0x1;
	[dreg:$0x2] =	wrdreg s3  }
0x21: {  	[dreg:$0x3] =	wrdreg s5  }
0x22: {  	[dreg:$0x4] =	wrdreg $0xC0  }
0x23: {  	_ =	task [dreg:s7], $0x5FFFF  }
0x24: {  	[dreg:$0x1] =	wrdreg $0xFFFFFFFF  }
0x25: {  	[dreg:$0x0] =	wrdreg $0x60  }
0x26: {  	[dreg:$0x2] =	wrdreg s25  }
0x27: {  	[dreg:$0x3] =	wrdreg s2  }
0x28: {  	[dreg:$0x4] =	wrdreg $0x9  }
0x29: {  	_ =	task.clear_ibuf [dreg:s7], $0x5FFFF;
	_ =	strace $0x90000049  }
0x2a: {  	s29 =	simm.s32 $0x9;
	_ =	strace $0x8000004B  }
0x2b: {  	_ =	swait.ge [sflag:s29], $0x1  }
0x2c: {  	[sflag:s29] =	ssyncadd.s32 $0xFFFFFFFF  }
0x2d: {  	_ =	strace $0x9000004B  }
0x2e: {  	_ =	sfence  }
0x2f: {  	s30 =	sld [smem:$0x0];
	_ =	sdelay $0x2  }
0x30: {  	s31 =	sshll.u32 s1, $0xD;
	s1 =	sshrl.u32 s1, $0x2  }
0x31: {  	s3 =	sand.u32 $0x4000, s31;
	s1 =	sadd.s32 s1, s30  }
0x32: {  	s0 =	sor.u32 s3, s0;
	s1 =	sshll.u32 s1, $0x11  }
0x33: {  	s0 =	sor.u32 s1, s0  }
0x34: {  	s0 =	sadd.s32 $0x8F2B, s0  }
0x35: {  	[sflag:s0] =	ssyncadd.remote.s32 $0x1  }
0x36: {  	_ =	sfence.sel $0xFFFF  }
0x37: {  	[dreg:$0x0] =	wrdreg $0xFFFFFFFF;
	(pc) =	sbr.abs _section_cstart, $3  }
0x38: {  	[dreg:$0x1] =	wrdreg $0xFFFFFFFF  }
0x39: {  	_ =	task.clear_ibuf [dreg:s7], $0x2FFFF;
	_ =	strace $0x9FFFFFFF  }
0x3a: {  	(tm) =	ssettm $0x7FFFFFFF  }
0x3b: {  	_ =	shalt  }
tec
execute0_lowered:
.L_overlay_start_1:
0x0: {  	(tag) =	ssettag $0x1  }
0x1: {  	s0 =	srdreg.scid  }
0x2: {  	s1 =	sshll.u32 s0, $0x4  }
0x3: {  	s0 =	stileid.u32;
	s1 =	sand.u32 $0x10, s1  }
0x4: {  	s1 =	sor.u32 s0, s1  }
0x5: {  	s6 =	rddreg [dreg:$0x0];
	s4 =	simm.s32 $0x1;
	s2 =	sshll.u32 s1, $0x7  }
0x6: {  	s7 =	simm.s32 $0x2;
	s12 =	simm.s32 $0x0;
	s1 =	ssub.s32 $0x4000, s2  }
0x7: {  	s8 =	simm.s32 $0x20000;
	s13 =	simm.s32 $0x0;
	s3 =	sand.u32 $0xF80, s1  }
0x8: {  	s9 =	simm.s32 $0x0;
	s5 =	sshrl.u32 s1, $0xC;
	p0 =	sne.s32 s3, $0x0  }
.Ltmp0:
0x9: {  	s1 =	rddreg [dreg:$0x2];
	s4 =	simm.s32 @!p0 $0x0;
	(pc) =	sbr.rel .LBB1_1-.Ltmp0, $4  }
0xa: {  	s11 =	simm.s32 $0x0;
	s3 =	rddreg [dreg:$0x1];
	s5 =	sadd.s32 s4, s5  }
0xb: {  	_ =	strace $0x8000004A;
	s4 =	simm.s32 $0x1;
	s5 =	smul.u32 $0x1A, s5  }
0xc: {  	s6 =	sadd.s32 $0xA00, s6;
	s10 =	smov.u32 s2;
	[sflag:s4] =	ssyncpa.u1 $0x0  }
0xd: {  	p0 =	por $0x0, $0x0;
	[sflag:s7] =	ssyncpa.u1 $0x0;
	s7 =	sor.u32 $0x1, s5  }
.LBB1_4:
0xe: {  	s16 =	sshll.u32 s13, $0x3;
	s17 =	sand.u32 $0x78, s13  }
0xf: {  	s30 =	sand.u32 $0xF800, s13;
	s12 =	sshll.u32 s12, $0x10;
	s16 =	sand.u32 $0x3C00, s16  }
0x10: {  	s31 =	sand.u32 $0x7, s13;
	s16 =	sor.u32 s17, s16;
	s17 =	sadd.s32 s3, s30  }
0x11: {  	s13 =	sshll.u32 s31, $0x12;
	s16 =	sshrl.u32 s16, $0x3;
	s12 =	sadd.s32 s12, s17  }
0x12: {  	[tilespmem:s15+$0x0 ss:$0x81] =	vst.msk $0xffff, v0;
	s13 =	sor.u32 $0x400, s13;
	s12 =	sadd.s32 s16, s12  }
0x13: {  	[hbm4b:s12+s13] =	stream.strided.scatter [tilespmem:s14], [sflag:$0x2], $0x1000, s8, s13, $0x20;
	[tilespmem:$0x4040] =	vst v63  }
.LBB1_5:
0x14: {  	s14 =	sadd.s32 $0x1, s9  }
0x15: {  	s12 =	sadd.s32 $0x1000, s10;
	s16 =	smov.u32 s10;
	p2 =	sgt.s32 s14, $0x19  }
0x16: {  	s16 =	smov.u32 @p2 s12  }
0x17: {  	s14 =	simm.s32 @p2 $0x0;
	p2 =	sgt.s32 s16, $0x3FFF  }
0x18: {  	s16 =	smov.u32 @p2 s2;
	p2 =	sne.s32 s11, s7  }
.Ltmp1:
0x19: {  	p1 =	slt.u32 s11, $0x2;
	(pc) =	sbr.rel @!p2 .LBB1_6-.Ltmp1, $4  }
0x1a: {  	s15 =	simm.s32 @!p1 $0x2  }
0x1b: {  	s13 =	smov.u32 s10;
	p0 =	por !p0, !p0;
	_ =	swait.ge @!p1 [sflag:s15], $0x1000  }
0x1c: {  	s12 =	smov.u32 s9;
	[sflag:s15] =	ssyncset.done @!p1 $0x0;
	s9 =	smov.u32 s14  }
0x1d: {  	s11 =	sadd.s32 $0x1, s11;
	[sflag:s15] =	ssyncadd.s32 @!p1 $0xFFFFF000;
	s10 =	smov.u32 s16  }
.LBB1_1:
0x1e: {  	p1 =	sge.u32 s11, s5  }
0x1f: {  	s31 =	sadd.s32 $0xFFFFFFFF, s11;
	s14 =	sxor.u32 @!p1 $0xFFFFFFFF, s11  }
0x20: {  	s15 =	sshll.u32 @!p1 s10, $0x9;
	s16 =	sshll.u32 @!p1 s9, $0x4;
	s17 =	simm.s32 @!p1 $0x1000  }
0x21: {  	s14 =	sshll.u32 @!p1 s14, $0xC;
	s16 =	sand.u32 @!p1 $0x1F0, s16;
	s15 =	sadd.s32 @!p1 s6, s15  }
0x22: {  	s14 =	sand.u32 @!p1 $0x1000, s14;
	s15 =	sadd.s32 @!p1 s16, s15;
	s16 =	simm.s32 @!p1 $0x20  }
0x23: {  	[tilespmem:s14], [sflag:$0x1] =	stream.strided.gather @!p1 [hbm4b:s15+s16], $0x1000, s17, s16, $0x38;
	[tilespmem:$0x4040] =	vst v63  }
0x24: {  	p1 =	sge.u32 s31, s5  }
.Ltmp2:
0x25: {  	_ = 	snop;
	(pc) =	sbr.rel @p1 .LBB1_5-.Ltmp2, $1  }
0x26: {  	_ =	sdelay $0x3  }
0x27: {  	s14 =	simm.s32 $0x1  }
0x28: {  	_ =	swait.ge [sflag:s4], $0x1000;
	s14 =	simm.s32 @!p0 $0x0  }
0x29: {  	[sflag:s4] =	ssyncset.done $0x0;
	s15 =	sshll.u32 s14, $0xC  }
0x2a: {  	[sflag:s4] =	ssyncadd.s32 $0xFFFFF000;
	s18 =	sor.u32 $0x10, s15  }
0x2b: {  	s14 =	smul.u32 $0x4080, s14;
	v1 =	vld [tilespmem:s18+$0x0]  }
0x2c: {  	s30 =	sand.u32 $0x1, s11;
	v0 =	vld [tilespmem:s18+$0xFFFFFFF0]  }
0x2d: {  	s15 =	smul.u32 $0x4080, s30;
	s14 =	sshrl.u32 s14, $0x2  }
0x2e: {  	s16 =	sor.u32 $0x2000, s14  }
0x2f: {  	s31 =	sshrl.u32 s15, $0x2;
	s15 =	sadd.s32 $0x0, s16  }
0x30: {  	s17 =	simm.s32 $0x4;
	s18 =	sadd.s32 $0x20, s18;
	s14 =	sor.u32 $0x2000, s31;
	[tilespmem:s15+$0x810 ss:$0x81] =	vst.msk $0xffff, v1  }
.LBB1_3:
0x31: {  	v1 =	vld [tilespmem:s18+$0x0];
	p1 =	sne.s32 s17, $0x1FC;
	[tilespmem:s15+$0x0 ss:$0x81] =	vst.msk $0xffff, v0;
	s15 =	smov.u32 s17;
	s17 =	sadd.s32 $0x4, s17  }
.Ltmp3:
0x32: {  	v0 =	vld [tilespmem:s18+$0xFFFFFFF0];
	(pc) =	sbr.rel @p1 .LBB1_3-.Ltmp3, $4  }
0x33: {  	_ = 	snop  }
0x34: {  	s15 =	sshra.s32 s15, $0x2  }
0x35: {  	s15 =	sadd.s32 s15, s16  }
0x36: {  	s18 =	sadd.s32 $0x20, s18;
	[tilespmem:s15+$0x810 ss:$0x81] =	vst.msk $0xffff, v1  }
.Ltmp4:
0x37: {  	_ = 	snop;
	(pc) =	sbr.rel .LBB1_4-.Ltmp4, $1  }
0x38: {  	_ =	sdelay $0x3  }
.LBB1_6:
0x39: {  	_ =	sfence.sel $0x180000  }
0x3a: {  	s2 =	simm.s32 $0x1;
	[bflag:$0x0] =	sbarrier.arrive $0xFFFF  }
0x3b: {  	s31 =	simm.s32 $0x2;
	[sflag:s2] =	ssyncpa.u1 $0x1  }
0x3c: {  	[sflag:s31] =	ssyncpa.u1 $0x1  }
0x3d: {  	p0 =	sne.s32 s0, $0x0;
	_ =	strace $0x9000004A  }
0x3e: {  	s0 =	sadd.s32 @!p0 $0x100000, s1;
	[bflag:$0x2] =	sbarrier.arrive $0xFFFF  }
0x3f: {  	[sflag:s0] =	ssyncadd.tile.s32 @!p0 $0x1;
	_ =	shalt  }
.Lfunc_end1:
_tile_overlayer_lowered:
.L_overlay_start_2:
0x40: {  	(tag) =	ssettag $0x2  }
0x41: {  	s0 =	rddreg [dreg:$0x0];
	s2 =	stileid.u32  }
0x42: {  	s1 =	rddreg [dreg:$0x1];
	p0 =	sne.s32 s2, $0x0  }
0x43: {  	s3 =	rddreg [dreg:$0x2];
	[bflag:$0x3] =	sbarrier.arrive $0xFFFF;
	s2 =	simm.s32 @!p0 $0x1C01  }
0x44: {  	[timem:s3], [sflag:s2] =	dma.local @!p0 [hbm:s0], s1  }
0x45: {  	s0 =	simm.s32 @!p0 $0x1  }
0x46: {  	_ =	swait.ge @!p0 [sflag:s0], s1  }
0x47: {  	s1 =	ssub.s32 @!p0 $0x0, s1;
	[sflag:s0] =	ssyncset.done @!p0 $0x0  }
0x48: {  	[sflag:s0] =	ssyncadd.s32 @!p0 s1  }
0x49: {  	[bflag:$0x3] =	sbarrier.arrive $0xFFFF  }
0x4a: {  	_ =	shalt  }

</sc_bundles>
